<compile_context>
chip_gen: v7x
topology: tpu7x:2x2x1
jax: 0.10.2.dev20260603
libtpu: 0.0.44.dev20260713+nightly
codegen_flags: <defaults>
</compile_context>

<pallas_src>
import functools

import jax
import jax.numpy as jnp
from jax import lax
from jax.experimental import pallas as pl
from jax.experimental.pallas import tpu as pltpu
from jax.experimental.pallas import tpu_sc as plsc

N_CORES = 2
N_SUBCORES = 16
N_WORKERS = N_CORES * N_SUBCORES
K = 128


def _sc_mesh():
    return plsc.VectorSubcoreMesh(core_axis_name="c", subcore_axis_name="s")


def _deg_histogram(dstp2, npad, cpw):
    rows_per_tile = npad // N_SUBCORES

    @functools.partial(
        pl.kernel,
        out_type=jax.ShapeDtypeStruct((N_CORES * npad,), jnp.float32),
        mesh=_sc_mesh(),
        scratch_types=[
            pltpu.VMEM((cpw, K), jnp.int32),
            pltpu.VMEM((K,), jnp.float32),
            pltpu.VMEM((rows_per_tile,), jnp.float32),
            pltpu.VMEM_SHARED((npad,), jnp.float32),
            pltpu.SemaphoreType.DMA,
        ],
    )
    def deg_kernel(dstp_hbm, out_hbm, didx, ones_v, zbuf, acc, ssem):
        c = lax.axis_index("c")
        s = lax.axis_index("s")
        wid = s * N_CORES + c
        tslice = pl.ds(s * rows_per_tile, rows_per_tile)

        def fill_ones(j, carry):
            ones_v[pl.ds(j * 16, 16)] = jnp.ones((16,), jnp.float32)
            return carry

        lax.fori_loop(0, K // 16, fill_ones, 0)

        def fill_zeros(j, carry):
            zbuf[pl.ds(j * 16, 16)] = jnp.zeros((16,), jnp.float32)
            return carry

        lax.fori_loop(0, rows_per_tile // 16, fill_zeros, 0)
        pltpu.sync_copy(zbuf, acc.at[tslice])
        pltpu.sync_copy(dstp_hbm.at[pl.ds(wid * cpw, cpw)], didx)
        plsc.subcore_barrier()

        def body(j, carry):
            pltpu.async_copy(ones_v, acc.at[didx.at[j]], ssem, add=True)
            return carry

        lax.fori_loop(0, cpw, body, 0)

        def drain(j, carry):
            pltpu.make_async_copy(ones_v, acc.at[didx.at[j]], ssem).wait()
            return carry

        lax.fori_loop(0, cpw, drain, 0)
        plsc.subcore_barrier()
        pltpu.sync_copy(acc.at[tslice], zbuf)
        pltpu.sync_copy(zbuf,
                        out_hbm.at[pl.ds(c * npad + s * rows_per_tile,
                                         rows_per_tile)])

    return deg_kernel(dstp2)


def _edge_aggregate(y, srcp2, dstp2, npad, cpw):
    n, d = y.shape
    rows_per_tile = npad // N_SUBCORES
    k_per_tile = rows_per_tile // K

    nbuf = 2
    ib = 40
    assert cpw % ib == 0 and ib % nbuf == 0 and ib % 8 == 0

    @functools.partial(
        pl.kernel,
        out_type=jax.ShapeDtypeStruct((N_CORES * npad, d), jnp.float32),
        mesh=_sc_mesh(),
        scratch_types=[
            pltpu.VMEM((ib, K), jnp.int32),
            pltpu.VMEM((ib, K), jnp.int32),
            pltpu.VMEM((nbuf * K, d), jnp.float32),
            pltpu.VMEM_SHARED((npad, d), jnp.float32),
        ] + [pltpu.SemaphoreType.DMA] * (2 * nbuf),
    )
    def agg_kernel(y_hbm, srcp_hbm, dstp_hbm, out_hbm,
                   sidx, didx, rows, acc, *sems):
        gsems, ssems = sems[:nbuf], sems[nbuf:]
        c = lax.axis_index("c")
        s = lax.axis_index("s")
        wid = s * N_CORES + c
        bufs = [rows.at[pl.ds(b * K, K)] for b in range(nbuf)]

        def fill_zeros(i, carry):
            def inner(j, carry2):
                rows[i, pl.ds(j * 16, 16)] = jnp.zeros((16,), jnp.float32)
                return carry2
            return lax.fori_loop(0, d // 16, inner, carry)

        lax.fori_loop(0, K, fill_zeros, 0)
        for kk in range(k_per_tile):
            pltpu.sync_copy(bufs[0],
                            acc.at[pl.ds(s * rows_per_tile + kk * K, K)])
        plsc.subcore_barrier()

        for bb in range(cpw // ib):
            base = wid * cpw + bb * ib
            pltpu.sync_copy(srcp_hbm.at[pl.ds(base, ib)], sidx)
            pltpu.sync_copy(dstp_hbm.at[pl.ds(base, ib)], didx)
            for b in range(nbuf):
                pltpu.async_copy(y_hbm.at[sidx.at[b]], bufs[b], gsems[b])

            def body(i, carry):
                bse = i * nbuf
                for b in range(nbuf):
                    j = bse + b
                    pltpu.make_async_copy(y_hbm.at[sidx.at[j]], bufs[b],
                                          gsems[b]).wait()
                    pltpu.async_copy(bufs[b], acc.at[didx.at[j]], ssems[b],
                                     add=True)
                for b in range(nbuf):
                    j = bse + b
                    pltpu.make_async_copy(bufs[b], acc.at[didx.at[j]],
                                          ssems[b]).wait()
                    jn = j + nbuf

                    @pl.when(jn < ib)
                    def _():
                        pltpu.async_copy(y_hbm.at[sidx.at[jn]], bufs[b],
                                         gsems[b])
                return carry

            lax.fori_loop(0, ib // nbuf, body, 0)
        plsc.subcore_barrier()
        for kk in range(k_per_tile):
            pltpu.sync_copy(acc.at[pl.ds(s * rows_per_tile + kk * K, K)],
                            bufs[0])
            pltpu.sync_copy(
                bufs[0],
                out_hbm.at[pl.ds(c * npad + s * rows_per_tile + kk * K, K)])

    return agg_kernel(y, srcp2, dstp2)


def _edge_prep(edge_index, pad_src2, pad_dst2, nrows_real, k):
    e = edge_index.shape[1]
    npr = pad_src2.shape[0]
    nrows = nrows_real + npr

    def body(ei_ref, ps_ref, pd_ref, s_ref, d_ref):
        s = jnp.reshape(ei_ref[0:1, :], (nrows_real, k))
        d = jnp.reshape(ei_ref[1:2, :], (nrows_real, k))
        s_ref[...] = jnp.concatenate([s, ps_ref[...]], axis=0)
        d_ref[...] = jnp.concatenate([d, pd_ref[...]], axis=0)

    return pl.pallas_call(
        body,
        out_shape=[jax.ShapeDtypeStruct((nrows, k), jnp.int32),
                   jax.ShapeDtypeStruct((nrows, k), jnp.int32)],
    )(edge_index, pad_src2, pad_dst2)


def _matmul(x, W):
    n, d = x.shape

    def body(x_ref, w_ref, o_ref):
        o_ref[...] = jnp.dot(x_ref[...], w_ref[...],
                             preferred_element_type=jnp.float32)

    return pl.pallas_call(
        body,
        out_shape=jax.ShapeDtypeStruct((n, d), jnp.float32),
    )(x, W)


def _scale_rows(xw, deg2r, n):
    npad = deg2r.shape[1]
    d = xw.shape[1]

    bs = 2048

    def body(xw_ref, deg_ref, y_ref, dinv_ref):
        deg = deg_ref[0:1, :] + deg_ref[1:2, :] + 1.0
        dinv_row = lax.rsqrt(deg)
        dinv = jnp.reshape(dinv_row, (bs, 1))
        y_ref[...] = xw_ref[...] * dinv
        dinv_ref[...] = dinv

    return pl.pallas_call(
        body,
        grid=(-(-n // bs),),
        in_specs=[
            pl.BlockSpec((bs, d), lambda i: (i, 0)),
            pl.BlockSpec((2, bs), lambda i: (0, i)),
        ],
        out_specs=[
            pl.BlockSpec((bs, d), lambda i: (i, 0)),
            pl.BlockSpec((bs, 1), lambda i: (i, 0)),
        ],
        out_shape=[jax.ShapeDtypeStruct((n, d), jnp.float32),
                   jax.ShapeDtypeStruct((n, 1), jnp.float32)],
    )(xw, deg2r)


def _dense_post(agg2, npad, y, dinv, x, b2, gamma2, beta2):
    n, d = x.shape
    bs = 2048
    nblk = npad // bs
    a3 = agg2.reshape(N_CORES, npad, d)

    def body(a0_ref, a1_ref, y_ref, dinv_ref, x_ref, b_ref, g_ref, be_ref,
             o_ref, scr, ssum, ssq):
        i = pl.program_id(0)
        blk = jnp.where(i < nblk, i, i - nblk)
        rowbase = blk * bs

        @pl.when(i < nblk)
        def phase0():
            out0 = ((a0_ref[0] + a1_ref[0] + y_ref[...])
                    * dinv_ref[...] + b_ref[...])
            scr[pl.ds(rowbase, bs), :] = out0
            rows = rowbase + lax.broadcasted_iota(jnp.int32, (bs, d), 0)
            keep = rows < n
            m = jnp.where(keep, out0, 0.0)
            m2 = jnp.where(keep, out0 * out0, 0.0)
            part = jnp.sum(m, axis=0, keepdims=True)
            part2 = jnp.sum(m2, axis=0, keepdims=True)

            @pl.when(i == 0)
            def _():
                ssum[...] = part
                ssq[...] = part2

            @pl.when(i > 0)
            def _():
                ssum[...] = ssum[...] + part
                ssq[...] = ssq[...] + part2

        @pl.when(i >= nblk)
        def phase1():
            mu = ssum[...] * (1.0 / n)
            var = ssq[...] * (1.0 / n) - mu * mu
            o = ((scr[pl.ds(rowbase, bs), :] - mu) * lax.rsqrt(var + 1e-5)
                 * g_ref[...] + be_ref[...])
            o_ref[...] = jnp.maximum(o, 0.0) + x_ref[...]

    grid = (2 * nblk,)

    def p0map(i):
        return jnp.where(i < nblk, i, nblk - 1)

    def p1map(i):
        return jnp.where(i < nblk, 0, i - nblk)

    return pl.pallas_call(
        body,
        grid=grid,
        in_specs=[
            pl.BlockSpec((1, bs, d), lambda i: (0, p0map(i), 0)),
            pl.BlockSpec((1, bs, d), lambda i: (1, p0map(i), 0)),
            pl.BlockSpec((bs, d), lambda i: (p0map(i), 0)),
            pl.BlockSpec((bs, 1), lambda i: (p0map(i), 0)),
            pl.BlockSpec((bs, d), lambda i: (p1map(i), 0)),
            pl.BlockSpec((1, d), lambda i: (0, 0)),
            pl.BlockSpec((1, d), lambda i: (0, 0)),
            pl.BlockSpec((1, d), lambda i: (0, 0)),
        ],
        out_specs=pl.BlockSpec((bs, d), lambda i: (p1map(i), 0)),
        scratch_shapes=[
            pltpu.VMEM((npad, d), jnp.float32),
            pltpu.VMEM((1, d), jnp.float32),
            pltpu.VMEM((1, d), jnp.float32),
        ],
        out_shape=jax.ShapeDtypeStruct((n, d), jnp.float32),
    )(a3, a3, y, dinv, x, b2, gamma2, beta2)


def kernel(x, edge_index, W, b, gamma, beta):
    n, d = x.shape
    e = edge_index.shape[1]

    grain = N_SUBCORES * K
    npad = ((n + grain - 1) // grain) * grain
    if npad == n:
        npad += grain

    cpw = -(-e // (N_WORKERS * K))
    cpw = ((cpw + 7) // 8) * 8
    e_pad = N_WORKERS * cpw * K
    padn = e_pad - e
    assert e % K == 0 and padn % K == 0
    pad_src2 = ((jnp.arange(padn, dtype=jnp.int32) * 37) % n).reshape(-1, K)
    pad_dst2 = (n + jnp.arange(padn, dtype=jnp.int32)
                % (npad - n)).reshape(-1, K)
    srcp2, dstp2 = _edge_prep(edge_index, pad_src2, pad_dst2, e // K, K)

    xw = _matmul(x, W)
    deg2 = _deg_histogram(dstp2, npad, cpw)
    y, dinv = _scale_rows(xw, deg2.reshape(2, npad), n)

    agg = _edge_aggregate(y, srcp2, dstp2, npad, cpw)

    return _dense_post(agg, npad, y, dinv, x,
                       b.reshape(1, d), gamma.reshape(1, d),
                       beta.reshape(1, d))

# --- scband reference (transcript-rebuilt; emitter-appended) ---
"""Pipeline reference for scband-gcnlayer-77403900608994 (READ-ONLY COPY).

The authoritative reference and input builder live on the scoring server;
editing this copy changes nothing except your own understanding.
"""

import jax, jax.numpy as jnp
import numpy as np

N_NODES = 10000
N_EDGES = 320000
D = 128

def setup_inputs(seed: int = 0) -> dict:
    key = jax.random.key(seed)
    k1, k2, k3 = jax.random.split(key, 3)
    x = jax.random.normal(k1, (N_NODES, D), dtype=jnp.float32)
    edge_index = jax.random.randint(k2, (2, N_EDGES), 0, N_NODES, dtype=jnp.int32)
    # GCNConv weight (glorot) and bias
    limit = float(np.sqrt(6.0 / (D + D)))
    W = jax.random.uniform(k3, (D, D), dtype=jnp.float32, minval=-limit, maxval=limit)
    b = jnp.zeros((D,), dtype=jnp.float32)
    # BatchNorm1d affine params
    gamma = jnp.ones((D,), dtype=jnp.float32)
    beta = jnp.zeros((D,), dtype=jnp.float32)
    return {"x": x, "edge_index": edge_index, "W": W, "b": b, "gamma": gamma, "beta": beta}

def reference(x, edge_index, W, b, gamma, beta):
    N = x.shape[0]
    identity = x
    # --- GCNConv: add self-loops, symmetric normalization, scatter-add aggregation ---
    loop = jnp.arange(N, dtype=edge_index.dtype)
    src = jnp.concatenate([edge_index[0], loop])
    dst = jnp.concatenate([edge_index[1], loop])
    xw = x @ W
    deg = jax.ops.segment_sum(jnp.ones_like(dst, dtype=xw.dtype), dst, num_segments=N)
    dinv = jnp.where(deg > 0, jax.lax.rsqrt(deg), 0.0)
    norm = dinv[src] * dinv[dst]
    msg = xw[src] * norm[:, None]
    out = jax.ops.segment_sum(msg, dst, num_segments=N) + b
    # --- BatchNorm1d (training-mode batch statistics, biased variance) ---
    mu = jnp.mean(out, axis=0)
    var = jnp.mean((out - mu) ** 2, axis=0)
    out = (out - mu) * jax.lax.rsqrt(var + 1e-5) * gamma + beta
    # --- ReLU + residual (in_features == out_features -> plain identity add) ---
    out = jax.nn.relu(out)
    out = out + identity
    # Dropout treated as identity (eval / deterministic reference)
    return out

if __name__ == "__main__":
    import jax
    _d = setup_inputs()
    print(jax.jit(kernel)(*tuple(_d.values())))

</pallas_src>

<mosaic_0001>
#map = affine_map<(d0, d1) -> (0, 0)>
#map1 = affine_map<(d0, d1) -> (0)>
module attributes {stable_mosaic.version = 14 : i64} {
  func.func @deg_kernel(%arg0: i32, %arg1: i32, %arg2: memref<2560x128xi32, #tpu.memory_space<hbm>>, %arg3: memref<20480xf32, #tpu.memory_space<hbm>>, %arg4: memref<80x128xi32, #tpu.memory_space<vmem>>, %arg5: memref<128xf32, #tpu.memory_space<vmem>>, %arg6: memref<640xf32, #tpu.memory_space<vmem>>, %arg7: memref<10240xf32, #tpu.memory_space<vmem_shared>>, %arg8: memref<!tpu.dma_semaphore, #tpu.memory_space<semaphore_mem>>) attributes {dimension_semantics = [#tpu.dimension_semantics<core_parallel>, #tpu.dimension_semantics<subcore_parallel>], iteration_bounds = array<i64: 2, 16>, scalar_prefetch = 0 : i64, scratch_operands = 5 : i64, tpu.core_type = #tpu.core_type<sc_vector_subcore>, window_params = [{transform_indices = #map}, {transform_indices = #map1}]} {
    %mul3A = arith.constant 2 : i32
    %mul3A_0 = arith.muli %arg1, %mul3A : i32
    %add3A = arith.addi %mul3A_0, %arg0 : i32
    %mul3A_1 = arith.constant 640 : i32
    %mul3A_2 = arith.muli %arg1, %mul3A_1 : i32
    %scan3A = arith.constant 0 : i32
    %scan3A_3 = arith.constant 0 : i32
    %scan3A_4 = arith.constant 8 : i32
    %scan3A_5 = arith.addi %scan3A_3, %scan3A_4 : i32
    %scan3A_6 = arith.constant 1 : i32
    scf.for %scan3A_34 = %scan3A_3 to %scan3A_5 step %scan3A_6  : i32 {
      %broadcast_in_dim3A = arith.constant 1.000000e+00 : f32
      %broadcast_in_dim3A_35 = vector.broadcast %broadcast_in_dim3A : f32 to vector<16xf32>
      %mul3A_36 = arith.constant 16 : i32
      %mul3A_37 = arith.muli %scan3A_34, %mul3A_36 : i32
      %swap3A = arith.index_cast %mul3A_37 : i32 to index
      %swap3A_38 = tpu.vector_load %arg5[%swap3A] {strides = array<i32>} : memref<128xf32, #tpu.memory_space<vmem>>, vector<16xf32>,
      %swap3A_39 = vector.shape_cast %swap3A_38 : vector<16xf32> to vector<16xf32>
      %swap3A_40 = vector.shape_cast %broadcast_in_dim3A_35 : vector<16xf32> to vector<16xf32>
      tpu.vector_store %arg5[%swap3A], %swap3A_40 {strides = array<i32>} : memref<128xf32, #tpu.memory_space<vmem>>, vector<16xf32>,
    }
    %scan3A_7 = arith.constant 8 : i32
    %scan3A_8 = arith.constant 0 : i32
    %scan3A_9 = arith.constant 0 : i32
    %scan3A_10 = arith.constant 40 : i32
    %scan3A_11 = arith.addi %scan3A_9, %scan3A_10 : i32
    %scan3A_12 = arith.constant 1 : i32
    scf.for %scan3A_34 = %scan3A_9 to %scan3A_11 step %scan3A_12  : i32 {
      %broadcast_in_dim3A = arith.constant 0.000000e+00 : f32
      %broadcast_in_dim3A_35 = vector.broadcast %broadcast_in_dim3A : f32 to vector<16xf32>
      %mul3A_36 = arith.constant 16 : i32
      %mul3A_37 = arith.muli %scan3A_34, %mul3A_36 : i32
      %swap3A = arith.index_cast %mul3A_37 : i32 to index
      %swap3A_38 = tpu.vector_load %arg6[%swap3A] {strides = array<i32>} : memref<640xf32, #tpu.memory_space<vmem>>, vector<16xf32>,
      %swap3A_39 = vector.shape_cast %swap3A_38 : vector<16xf32> to vector<16xf32>
      %swap3A_40 = vector.shape_cast %broadcast_in_dim3A_35 : vector<16xf32> to vector<16xf32>
      tpu.vector_store %arg6[%swap3A], %swap3A_40 {strides = array<i32>} : memref<640xf32, #tpu.memory_space<vmem>>, vector<16xf32>,
    }
    %scan3A_13 = arith.constant 40 : i32
    "tpu.region"() ({
      %run_scoped3A = tpu.sem_alloc : memref<!tpu.dma_semaphore, #tpu.memory_space<semaphore_mem>>
      %dma_start3A = tpu.memref_slice %arg7[%mul3A_2] : memref<10240xf32, #tpu.memory_space<vmem_shared>> -> memref<640xf32, #tpu.memory_space<vmem_shared>>
      %dma_start3A_34 = tpu.memref_slice %arg7[%mul3A_2] : memref<10240xf32, #tpu.memory_space<vmem_shared>> -> memref<640xf32, #tpu.memory_space<vmem_shared>>
      tpu.enqueue_dma source(%arg6 : memref<640xf32, #tpu.memory_space<vmem>>) target(%dma_start3A_34 : memref<640xf32, #tpu.memory_space<vmem_shared>>) target_semaphore(%run_scoped3A : memref<!tpu.dma_semaphore, #tpu.memory_space<semaphore_mem>>)
      %dma_wait3A = tpu.memref_slice %arg7[%mul3A_2] : memref<10240xf32, #tpu.memory_space<vmem_shared>> -> memref<640xf32, #tpu.memory_space<vmem_shared>>
      %dma_wait3A_35 = tpu.memref_slice %arg7[%mul3A_2] : memref<10240xf32, #tpu.memory_space<vmem_shared>> -> memref<640xf32, #tpu.memory_space<vmem_shared>>
      tpu.wait_dma2 semaphore(%run_scoped3A : memref<!tpu.dma_semaphore, #tpu.memory_space<semaphore_mem>>) src(%arg6 : memref<640xf32, #tpu.memory_space<vmem>>) dst(%dma_wait3A_35 : memref<640xf32, #tpu.memory_space<vmem_shared>>)
      tpu.yield
    }) : () -> ()
    %mul3A_14 = arith.constant 80 : i32
    %mul3A_15 = arith.muli %add3A, %mul3A_14 : i32
    "tpu.region"() ({
      %run_scoped3A = tpu.sem_alloc : memref<!tpu.dma_semaphore, #tpu.memory_space<semaphore_mem>>
      %dma_start3A = arith.constant 0 : i32
      %dma_start3A_34 = tpu.memref_slice %arg2[%mul3A_15, %dma_start3A] : memref<2560x128xi32, #tpu.memory_space<hbm>> -> memref<80x128xi32, #tpu.memory_space<hbm>>
      %dma_start3A_35 = arith.constant 0 : i32
      %dma_start3A_36 = tpu.memref_slice %arg2[%mul3A_15, %dma_start3A_35] : memref<2560x128xi32, #tpu.memory_space<hbm>> -> memref<80x128xi32, #tpu.memory_space<hbm>>
      tpu.enqueue_dma source(%dma_start3A_36 : memref<80x128xi32, #tpu.memory_space<hbm>>) target(%arg4 : memref<80x128xi32, #tpu.memory_space<vmem>>) target_semaphore(%run_scoped3A : memref<!tpu.dma_semaphore, #tpu.memory_space<semaphore_mem>>)
      %dma_wait3A = arith.constant 0 : i32
      %dma_wait3A_37 = tpu.memref_slice %arg2[%mul3A_15, %dma_wait3A] : memref<2560x128xi32, #tpu.memory_space<hbm>> -> memref<80x128xi32, #tpu.memory_space<hbm>>
      %dma_wait3A_38 = arith.constant 0 : i32
      %dma_wait3A_39 = tpu.memref_slice %arg2[%mul3A_15, %dma_wait3A_38] : memref<2560x128xi32, #tpu.memory_space<hbm>> -> memref<80x128xi32, #tpu.memory_space<hbm>>
      tpu.wait_dma2 semaphore(%run_scoped3A : memref<!tpu.dma_semaphore, #tpu.memory_space<semaphore_mem>>) src(%dma_wait3A_39 : memref<80x128xi32, #tpu.memory_space<hbm>>) dst(%arg4 : memref<80x128xi32, #tpu.memory_space<vmem>>)
      tpu.yield
    }) : () -> ()
    %barrier3A = arith.constant 0 : index
    tpu.barrier barrier_id(%barrier3A)
    %scan3A_16 = arith.constant 0 : i32
    %scan3A_17 = arith.constant 0 : i32
    %scan3A_18 = arith.constant 80 : i32
    %scan3A_19 = arith.addi %scan3A_17, %scan3A_18 : i32
    %scan3A_20 = arith.constant 1 : i32
    scf.for %scan3A_34 = %scan3A_17 to %scan3A_19 step %scan3A_20  : i32 {
      %dma_start3A = arith.constant 0 : i32
      %dma_start3A_35 = tpu.memref_slice %arg4[%scan3A_34, %dma_start3A] : memref<80x128xi32, #tpu.memory_space<vmem>> -> memref<1x128xi32, #tpu.memory_space<vmem>>
      %dma_start3A_36 = tpu.memref_squeeze %dma_start3A_35 : memref<1x128xi32, #tpu.memory_space<vmem>> -> memref<128xi32, #tpu.memory_space<vmem>>
      %dma_start3A_37 = arith.constant 0 : i32
      %dma_start3A_38 = tpu.memref_slice %arg7[%dma_start3A_37] : memref<10240xf32, #tpu.memory_space<vmem_shared>> -> memref<10240xf32, #tpu.memory_space<vmem_shared>>
      tpu.enqueue_indirect_dma source(%arg5 : memref<128xf32, #tpu.memory_space<vmem>>) target(%dma_start3A_38 : memref<10240xf32, #tpu.memory_space<vmem_shared>>) offsets(%dma_start3A_36 : memref<128xi32, #tpu.memory_space<vmem>>) semaphore(%arg8 : memref<!tpu.dma_semaphore, #tpu.memory_space<semaphore_mem>>) {add = true}
    }
    %scan3A_21 = arith.constant 80 : i32
    %scan3A_22 = arith.constant 0 : i32
    %scan3A_23 = arith.constant 0 : i32
    %scan3A_24 = arith.constant 80 : i32
    %scan3A_25 = arith.addi %scan3A_23, %scan3A_24 : i32
    %scan3A_26 = arith.constant 1 : i32
    scf.for %scan3A_34 = %scan3A_23 to %scan3A_25 step %scan3A_26  : i32 {
      %dma_wait3A = arith.constant 0 : i32
      %dma_wait3A_35 = tpu.memref_slice %arg4[%scan3A_34, %dma_wait3A] : memref<80x128xi32, #tpu.memory_space<vmem>> -> memref<1x128xi32, #tpu.memory_space<vmem>>
      %dma_wait3A_36 = tpu.memref_squeeze %dma_wait3A_35 : memref<1x128xi32, #tpu.memory_space<vmem>> -> memref<128xi32, #tpu.memory_space<vmem>>
      %dma_wait3A_37 = arith.constant 0 : i32
      %dma_wait3A_38 = tpu.memref_slice %arg7[%dma_wait3A_37] : memref<10240xf32, #tpu.memory_space<vmem_shared>> -> memref<10240xf32, #tpu.memory_space<vmem_shared>>
      tpu.wait_indirect_dma semaphore(%arg8 : memref<!tpu.dma_semaphore, #tpu.memory_space<semaphore_mem>>) src(%arg5 : memref<128xf32, #tpu.memory_space<vmem>>) dst(%dma_wait3A_38 : memref<10240xf32, #tpu.memory_space<vmem_shared>>)
    }
    %scan3A_27 = arith.constant 80 : i32
    %barrier3A_28 = arith.constant 0 : index
    tpu.barrier barrier_id(%barrier3A_28)
    "tpu.region"() ({
      %run_scoped3A = tpu.sem_alloc : memref<!tpu.dma_semaphore, #tpu.memory_space<semaphore_mem>>
      %dma_start3A = tpu.memref_slice %arg7[%mul3A_2] : memref<10240xf32, #tpu.memory_space<vmem_shared>> -> memref<640xf32, #tpu.memory_space<vmem_shared>>
      %dma_start3A_34 = tpu.memref_slice %arg7[%mul3A_2] : memref<10240xf32, #tpu.memory_space<vmem_shared>> -> memref<640xf32, #tpu.memory_space<vmem_shared>>
      tpu.enqueue_dma source(%dma_start3A_34 : memref<640xf32, #tpu.memory_space<vmem_shared>>) target(%arg6 : memref<640xf32, #tpu.memory_space<vmem>>) target_semaphore(%run_scoped3A : memref<!tpu.dma_semaphore, #tpu.memory_space<semaphore_mem>>)
      %dma_wait3A = tpu.memref_slice %arg7[%mul3A_2] : memref<10240xf32, #tpu.memory_space<vmem_shared>> -> memref<640xf32, #tpu.memory_space<vmem_shared>>
      %dma_wait3A_35 = tpu.memref_slice %arg7[%mul3A_2] : memref<10240xf32, #tpu.memory_space<vmem_shared>> -> memref<640xf32, #tpu.memory_space<vmem_shared>>
      tpu.wait_dma2 semaphore(%run_scoped3A : memref<!tpu.dma_semaphore, #tpu.memory_space<semaphore_mem>>) src(%dma_wait3A_35 : memref<640xf32, #tpu.memory_space<vmem_shared>>) dst(%arg6 : memref<640xf32, #tpu.memory_space<vmem>>)
      tpu.yield
    }) : () -> ()
    %mul3A_29 = arith.constant 10240 : i32
    %mul3A_30 = arith.muli %arg0, %mul3A_29 : i32
    %mul3A_31 = arith.constant 640 : i32
    %mul3A_32 = arith.muli %arg1, %mul3A_31 : i32
    %add3A_33 = arith.addi %mul3A_30, %mul3A_32 : i32
    "tpu.region"() ({
      %run_scoped3A = tpu.sem_alloc : memref<!tpu.dma_semaphore, #tpu.memory_space<semaphore_mem>>
      %dma_start3A = tpu.memref_slice %arg3[%add3A_33] : memref<20480xf32, #tpu.memory_space<hbm>> -> memref<640xf32, #tpu.memory_space<hbm>>
      %dma_start3A_34 = tpu.memref_slice %arg3[%add3A_33] : memref<20480xf32, #tpu.memory_space<hbm>> -> memref<640xf32, #tpu.memory_space<hbm>>
      tpu.enqueue_dma source(%arg6 : memref<640xf32, #tpu.memory_space<vmem>>) target(%dma_start3A_34 : memref<640xf32, #tpu.memory_space<hbm>>) target_semaphore(%run_scoped3A : memref<!tpu.dma_semaphore, #tpu.memory_space<semaphore_mem>>)
      %dma_wait3A = tpu.memref_slice %arg3[%add3A_33] : memref<20480xf32, #tpu.memory_space<hbm>> -> memref<640xf32, #tpu.memory_space<hbm>>
      %dma_wait3A_35 = tpu.memref_slice %arg3[%add3A_33] : memref<20480xf32, #tpu.memory_space<hbm>> -> memref<640xf32, #tpu.memory_space<hbm>>
      tpu.wait_dma2 semaphore(%run_scoped3A : memref<!tpu.dma_semaphore, #tpu.memory_space<semaphore_mem>>) src(%arg6 : memref<640xf32, #tpu.memory_space<vmem>>) dst(%dma_wait3A_35 : memref<640xf32, #tpu.memory_space<hbm>>)
      tpu.yield
    }) : () -> ()
    return
  }
}

#map = affine_map<(d0, d1) -> (0, 0)>
module attributes {stable_mosaic.version = 14 : i64} {
  func.func @agg_kernel(%arg0: i32, %arg1: i32, %arg2: memref<10000x128xf32, #tpu.memory_space<hbm>>, %arg3: memref<2560x128xi32, #tpu.memory_space<hbm>>, %arg4: memref<2560x128xi32, #tpu.memory_space<hbm>>, %arg5: memref<20480x128xf32, #tpu.memory_space<hbm>>, %arg6: memref<40x128xi32, #tpu.memory_space<vmem>>, %arg7: memref<40x128xi32, #tpu.memory_space<vmem>>, %arg8: memref<256x128xf32, #tpu.memory_space<vmem>>, %arg9: memref<10240x128xf32, #tpu.memory_space<vmem_shared>>, %arg10: memref<!tpu.dma_semaphore, #tpu.memory_space<semaphore_mem>>, %arg11: memref<!tpu.dma_semaphore, #tpu.memory_space<semaphore_mem>>, %arg12: memref<!tpu.dma_semaphore, #tpu.memory_space<semaphore_mem>>, %arg13: memref<!tpu.dma_semaphore, #tpu.memory_space<semaphore_mem>>) attributes {dimension_semantics = [#tpu.dimension_semantics<core_parallel>, #tpu.dimension_semantics<subcore_parallel>], iteration_bounds = array<i64: 2, 16>, scalar_prefetch = 0 : i64, scratch_operands = 8 : i64, tpu.core_type = #tpu.core_type<sc_vector_subcore>, window_params = [{transform_indices = #map}, {transform_indices = #map}, {transform_indices = #map}, {transform_indices = #map}]} {
    %mul3A = arith.constant 2 : i32
    %mul3A_0 = arith.muli %arg1, %mul3A : i32
    %add3A = arith.addi %mul3A_0, %arg0 : i32
    %scan3A = arith.constant 0 : i32
    %scan3A_1 = arith.constant 0 : i32
    %scan3A_2 = arith.constant 128 : i32
    %scan3A_3 = arith.addi %scan3A_1, %scan3A_2 : i32
    %scan3A_4 = arith.constant 1 : i32
    scf.for %scan3A_141 = %scan3A_1 to %scan3A_3 step %scan3A_4  : i32 {
      %scan3A_142 = arith.constant 0 : i32
      %scan3A_143 = arith.constant 8 : i32
      %scan3A_144 = arith.addi %scan3A_142, %scan3A_143 : i32
      %scan3A_145 = arith.constant 1 : i32
      scf.for %scan3A_147 = %scan3A_142 to %scan3A_144 step %scan3A_145  : i32 {
        %broadcast_in_dim3A = arith.constant 0.000000e+00 : f32
        %broadcast_in_dim3A_148 = vector.broadcast %broadcast_in_dim3A : f32 to vector<16xf32>
        %mul3A_149 = arith.constant 16 : i32
        %mul3A_150 = arith.muli %scan3A_147, %mul3A_149 : i32
        %swap3A = arith.index_cast %scan3A_141 : i32 to index
        %swap3A_151 = arith.index_cast %mul3A_150 : i32 to index
        %swap3A_152 = tpu.vector_load %arg8[%swap3A, %swap3A_151] {strides = array<i32>} : memref<256x128xf32, #tpu.memory_space<vmem>>, vector<1x16xf32>,
        %swap3A_153 = vector.shape_cast %swap3A_152 : vector<1x16xf32> to vector<16xf32>
        %swap3A_154 = vector.shape_cast %broadcast_in_dim3A_148 : vector<16xf32> to vector<1x16xf32>
        tpu.vector_store %arg8[%swap3A, %swap3A_151], %swap3A_154 {strides = array<i32>} : memref<256x128xf32, #tpu.memory_space<vmem>>, vector<1x16xf32>,
      }
      %scan3A_146 = arith.constant 8 : i32
    }
    %scan3A_5 = arith.constant 128 : i32
    %mul3A_6 = arith.constant 640 : i32
    %mul3A_7 = arith.muli %arg1, %mul3A_6 : i32
    %add3A_8 = arith.constant 0 : i32
    %add3A_9 = arith.addi %mul3A_7, %add3A_8 : i32
    "tpu.region"() ({
      %run_scoped3A = tpu.sem_alloc : memref<!tpu.dma_semaphore, #tpu.memory_space<semaphore_mem>>
      %dma_start3A_141 = arith.constant 0 : i32
      %dma_start3A_142 = arith.constant 0 : i32
      %dma_start3A_143 = tpu.memref_slice %arg8[%dma_start3A_141, %dma_start3A_142] : memref<256x128xf32, #tpu.memory_space<vmem>> -> memref<128x128xf32, #tpu.memory_space<vmem>>
      %dma_start3A_144 = arith.constant 0 : i32
      %dma_start3A_145 = tpu.memref_slice %arg9[%add3A_9, %dma_start3A_144] : memref<10240x128xf32, #tpu.memory_space<vmem_shared>> -> memref<128x128xf32, #tpu.memory_space<vmem_shared>>
      %dma_start3A_146 = arith.constant 0 : i32
      %dma_start3A_147 = tpu.memref_slice %arg9[%add3A_9, %dma_start3A_146] : memref<10240x128xf32, #tpu.memory_space<vmem_shared>> -> memref<128x128xf32, #tpu.memory_space<vmem_shared>>
      %dma_start3A_148 = arith.constant 0 : i32
      %dma_start3A_149 = arith.constant 0 : i32
      %dma_start3A_150 = tpu.memref_slice %arg8[%dma_start3A_148, %dma_start3A_149] : memref<256x128xf32, #tpu.memory_space<vmem>> -> memref<128x128xf32, #tpu.memory_space<vmem>>
      tpu.enqueue_dma source(%dma_start3A_150 : memref<128x128xf32, #tpu.memory_space<vmem>>) target(%dma_start3A_147 : memref<128x128xf32, #tpu.memory_space<vmem_shared>>) target_semaphore(%run_scoped3A : memref<!tpu.dma_semaphore, #tpu.memory_space<semaphore_mem>>)
      %dma_wait3A = arith.constant 0 : i32
      %dma_wait3A_151 = arith.constant 0 : i32
      %dma_wait3A_152 = tpu.memref_slice %arg8[%dma_wait3A, %dma_wait3A_151] : memref<256x128xf32, #tpu.memory_space<vmem>> -> memref<128x128xf32, #tpu.memory_space<vmem>>
      %dma_wait3A_153 = arith.constant 0 : i32
      %dma_wait3A_154 = tpu.memref_slice %arg9[%add3A_9, %dma_wait3A_153] : memref<10240x128xf32, #tpu.memory_space<vmem_shared>> -> memref<128x128xf32, #tpu.memory_space<vmem_shared>>
      %dma_wait3A_155 = arith.constant 0 : i32
      %dma_wait3A_156 = tpu.memref_slice %arg9[%add3A_9, %dma_wait3A_155] : memref<10240x128xf32, #tpu.memory_space<vmem_shared>> -> memref<128x128xf32, #tpu.memory_space<vmem_shared>>
      %dma_wait3A_157 = arith.constant 0 : i32
      %dma_wait3A_158 = arith.constant 0 : i32
      %dma_wait3A_159 = tpu.memref_slice %arg8[%dma_wait3A_157, %dma_wait3A_158] : memref<256x128xf32, #tpu.memory_space<vmem>> -> memref<128x128xf32, #tpu.memory_space<vmem>>
      tpu.wait_dma2 semaphore(%run_scoped3A : memref<!tpu.dma_semaphore, #tpu.memory_space<semaphore_mem>>) src(%dma_wait3A_159 : memref<128x128xf32, #tpu.memory_space<vmem>>) dst(%dma_wait3A_156 : memref<128x128xf32, #tpu.memory_space<vmem_shared>>)
      tpu.yield
    }) : () -> ()
    %mul3A_10 = arith.constant 640 : i32
    %mul3A_11 = arith.muli %arg1, %mul3A_10 : i32
    %add3A_12 = arith.constant 128 : i32
    %add3A_13 = arith.addi %mul3A_11, %add3A_12 : i32
    "tpu.region"() ({
      %run_scoped3A = tpu.sem_alloc : memref<!tpu.dma_semaphore, #tpu.memory_space<semaphore_mem>>
      %dma_start3A_141 = arith.constant 0 : i32
      %dma_start3A_142 = arith.constant 0 : i32
      %dma_start3A_143 = tpu.memref_slice %arg8[%dma_start3A_141, %dma_start3A_142] : memref<256x128xf32, #tpu.memory_space<vmem>> -> memref<128x128xf32, #tpu.memory_space<vmem>>
      %dma_start3A_144 = arith.constant 0 : i32
      %dma_start3A_145 = tpu.memref_slice %arg9[%add3A_13, %dma_start3A_144] : memref<10240x128xf32, #tpu.memory_space<vmem_shared>> -> memref<128x128xf32, #tpu.memory_space<vmem_shared>>
      %dma_start3A_146 = arith.constant 0 : i32
      %dma_start3A_147 = tpu.memref_slice %arg9[%add3A_13, %dma_start3A_146] : memref<10240x128xf32, #tpu.memory_space<vmem_shared>> -> memref<128x128xf32, #tpu.memory_space<vmem_shared>>
      %dma_start3A_148 = arith.constant 0 : i32
      %dma_start3A_149 = arith.constant 0 : i32
      %dma_start3A_150 = tpu.memref_slice %arg8[%dma_start3A_148, %dma_start3A_149] : memref<256x128xf32, #tpu.memory_space<vmem>> -> memref<128x128xf32, #tpu.memory_space<vmem>>
      tpu.enqueue_dma source(%dma_start3A_150 : memref<128x128xf32, #tpu.memory_space<vmem>>) target(%dma_start3A_147 : memref<128x128xf32, #tpu.memory_space<vmem_shared>>) target_semaphore(%run_scoped3A : memref<!tpu.dma_semaphore, #tpu.memory_space<semaphore_mem>>)
      %dma_wait3A = arith.constant 0 : i32
      %dma_wait3A_151 = arith.constant 0 : i32
      %dma_wait3A_152 = tpu.memref_slice %arg8[%dma_wait3A, %dma_wait3A_151] : memref<256x128xf32, #tpu.memory_space<vmem>> -> memref<128x128xf32, #tpu.memory_space<vmem>>
      %dma_wait3A_153 = arith.constant 0 : i32
      %dma_wait3A_154 = tpu.memref_slice %arg9[%add3A_13, %dma_wait3A_153] : memref<10240x128xf32, #tpu.memory_space<vmem_shared>> -> memref<128x128xf32, #tpu.memory_space<vmem_shared>>
      %dma_wait3A_155 = arith.constant 0 : i32
      %dma_wait3A_156 = tpu.memref_slice %arg9[%add3A_13, %dma_wait3A_155] : memref<10240x128xf32, #tpu.memory_space<vmem_shared>> -> memref<128x128xf32, #tpu.memory_space<vmem_shared>>
      %dma_wait3A_157 = arith.constant 0 : i32
      %dma_wait3A_158 = arith.constant 0 : i32
      %dma_wait3A_159 = tpu.memref_slice %arg8[%dma_wait3A_157, %dma_wait3A_158] : memref<256x128xf32, #tpu.memory_space<vmem>> -> memref<128x128xf32, #tpu.memory_space<vmem>>
      tpu.wait_dma2 semaphore(%run_scoped3A : memref<!tpu.dma_semaphore, #tpu.memory_space<semaphore_mem>>) src(%dma_wait3A_159 : memref<128x128xf32, #tpu.memory_space<vmem>>) dst(%dma_wait3A_156 : memref<128x128xf32, #tpu.memory_space<vmem_shared>>)
      tpu.yield
    }) : () -> ()
    %mul3A_14 = arith.constant 640 : i32
    %mul3A_15 = arith.muli %arg1, %mul3A_14 : i32
    %add3A_16 = arith.constant 256 : i32
    %add3A_17 = arith.addi %mul3A_15, %add3A_16 : i32
    "tpu.region"() ({
      %run_scoped3A = tpu.sem_alloc : memref<!tpu.dma_semaphore, #tpu.memory_space<semaphore_mem>>
      %dma_start3A_141 = arith.constant 0 : i32
      %dma_start3A_142 = arith.constant 0 : i32
      %dma_start3A_143 = tpu.memref_slice %arg8[%dma_start3A_141, %dma_start3A_142] : memref<256x128xf32, #tpu.memory_space<vmem>> -> memref<128x128xf32, #tpu.memory_space<vmem>>
      %dma_start3A_144 = arith.constant 0 : i32
      %dma_start3A_145 = tpu.memref_slice %arg9[%add3A_17, %dma_start3A_144] : memref<10240x128xf32, #tpu.memory_space<vmem_shared>> -> memref<128x128xf32, #tpu.memory_space<vmem_shared>>
      %dma_start3A_146 = arith.constant 0 : i32
      %dma_start3A_147 = tpu.memref_slice %arg9[%add3A_17, %dma_start3A_146] : memref<10240x128xf32, #tpu.memory_space<vmem_shared>> -> memref<128x128xf32, #tpu.memory_space<vmem_shared>>
      %dma_start3A_148 = arith.constant 0 : i32
      %dma_start3A_149 = arith.constant 0 : i32
      %dma_start3A_150 = tpu.memref_slice %arg8[%dma_start3A_148, %dma_start3A_149] : memref<256x128xf32, #tpu.memory_space<vmem>> -> memref<128x128xf32, #tpu.memory_space<vmem>>
      tpu.enqueue_dma source(%dma_start3A_150 : memref<128x128xf32, #tpu.memory_space<vmem>>) target(%dma_start3A_147 : memref<128x128xf32, #tpu.memory_space<vmem_shared>>) target_semaphore(%run_scoped3A : memref<!tpu.dma_semaphore, #tpu.memory_space<semaphore_mem>>)
      %dma_wait3A = arith.constant 0 : i32
      %dma_wait3A_151 = arith.constant 0 : i32
      %dma_wait3A_152 = tpu.memref_slice %arg8[%dma_wait3A, %dma_wait3A_151] : memref<256x128xf32, #tpu.memory_space<vmem>> -> memref<128x128xf32, #tpu.memory_space<vmem>>
      %dma_wait3A_153 = arith.constant 0 : i32
      %dma_wait3A_154 = tpu.memref_slice %arg9[%add3A_17, %dma_wait3A_153] : memref<10240x128xf32, #tpu.memory_space<vmem_shared>> -> memref<128x128xf32, #tpu.memory_space<vmem_shared>>
      %dma_wait3A_155 = arith.constant 0 : i32
      %dma_wait3A_156 = tpu.memref_slice %arg9[%add3A_17, %dma_wait3A_155] : memref<10240x128xf32, #tpu.memory_space<vmem_shared>> -> memref<128x128xf32, #tpu.memory_space<vmem_shared>>
      %dma_wait3A_157 = arith.constant 0 : i32
      %dma_wait3A_158 = arith.constant 0 : i32
      %dma_wait3A_159 = tpu.memref_slice %arg8[%dma_wait3A_157, %dma_wait3A_158] : memref<256x128xf32, #tpu.memory_space<vmem>> -> memref<128x128xf32, #tpu.memory_space<vmem>>
      tpu.wait_dma2 semaphore(%run_scoped3A : memref<!tpu.dma_semaphore, #tpu.memory_space<semaphore_mem>>) src(%dma_wait3A_159 : memref<128x128xf32, #tpu.memory_space<vmem>>) dst(%dma_wait3A_156 : memref<128x128xf32, #tpu.memory_space<vmem_shared>>)
      tpu.yield
    }) : () -> ()
    %mul3A_18 = arith.constant 640 : i32
    %mul3A_19 = arith.muli %arg1, %mul3A_18 : i32
    %add3A_20 = arith.constant 384 : i32
    %add3A_21 = arith.addi %mul3A_19, %add3A_20 : i32
    "tpu.region"() ({
      %run_scoped3A = tpu.sem_alloc : memref<!tpu.dma_semaphore, #tpu.memory_space<semaphore_mem>>
      %dma_start3A_141 = arith.constant 0 : i32
      %dma_start3A_142 = arith.constant 0 : i32
      %dma_start3A_143 = tpu.memref_slice %arg8[%dma_start3A_141, %dma_start3A_142] : memref<256x128xf32, #tpu.memory_space<vmem>> -> memref<128x128xf32, #tpu.memory_space<vmem>>
      %dma_start3A_144 = arith.constant 0 : i32
      %dma_start3A_145 = tpu.memref_slice %arg9[%add3A_21, %dma_start3A_144] : memref<10240x128xf32, #tpu.memory_space<vmem_shared>> -> memref<128x128xf32, #tpu.memory_space<vmem_shared>>
      %dma_start3A_146 = arith.constant 0 : i32
      %dma_start3A_147 = tpu.memref_slice %arg9[%add3A_21, %dma_start3A_146] : memref<10240x128xf32, #tpu.memory_space<vmem_shared>> -> memref<128x128xf32, #tpu.memory_space<vmem_shared>>
      %dma_start3A_148 = arith.constant 0 : i32
      %dma_start3A_149 = arith.constant 0 : i32
      %dma_start3A_150 = tpu.memref_slice %arg8[%dma_start3A_148, %dma_start3A_149] : memref<256x128xf32, #tpu.memory_space<vmem>> -> memref<128x128xf32, #tpu.memory_space<vmem>>
      tpu.enqueue_dma source(%dma_start3A_150 : memref<128x128xf32, #tpu.memory_space<vmem>>) target(%dma_start3A_147 : memref<128x128xf32, #tpu.memory_space<vmem_shared>>) target_semaphore(%run_scoped3A : memref<!tpu.dma_semaphore, #tpu.memory_space<semaphore_mem>>)
      %dma_wait3A = arith.constant 0 : i32
      %dma_wait3A_151 = arith.constant 0 : i32
      %dma_wait3A_152 = tpu.memref_slice %arg8[%dma_wait3A, %dma_wait3A_151] : memref<256x128xf32, #tpu.memory_space<vmem>> -> memref<128x128xf32, #tpu.memory_space<vmem>>
      %dma_wait3A_153 = arith.constant 0 : i32
      %dma_wait3A_154 = tpu.memref_slice %arg9[%add3A_21, %dma_wait3A_153] : memref<10240x128xf32, #tpu.memory_space<vmem_shared>> -> memref<128x128xf32, #tpu.memory_space<vmem_shared>>
      %dma_wait3A_155 = arith.constant 0 : i32
      %dma_wait3A_156 = tpu.memref_slice %arg9[%add3A_21, %dma_wait3A_155] : memref<10240x128xf32, #tpu.memory_space<vmem_shared>> -> memref<128x128xf32, #tpu.memory_space<vmem_shared>>
      %dma_wait3A_157 = arith.constant 0 : i32
      %dma_wait3A_158 = arith.constant 0 : i32
      %dma_wait3A_159 = tpu.memref_slice %arg8[%dma_wait3A_157, %dma_wait3A_158] : memref<256x128xf32, #tpu.memory_space<vmem>> -> memref<128x128xf32, #tpu.memory_space<vmem>>
      tpu.wait_dma2 semaphore(%run_scoped3A : memref<!tpu.dma_semaphore, #tpu.memory_space<semaphore_mem>>) src(%dma_wait3A_159 : memref<128x128xf32, #tpu.memory_space<vmem>>) dst(%dma_wait3A_156 : memref<128x128xf32, #tpu.memory_space<vmem_shared>>)
      tpu.yield
    }) : () -> ()
    %mul3A_22 = arith.constant 640 : i32
    %mul3A_23 = arith.muli %arg1, %mul3A_22 : i32
    %add3A_24 = arith.constant 512 : i32
    %add3A_25 = arith.addi %mul3A_23, %add3A_24 : i32
    "tpu.region"() ({
      %run_scoped3A = tpu.sem_alloc : memref<!tpu.dma_semaphore, #tpu.memory_space<semaphore_mem>>
      %dma_start3A_141 = arith.constant 0 : i32
      %dma_start3A_142 = arith.constant 0 : i32
      %dma_start3A_143 = tpu.memref_slice %arg8[%dma_start3A_141, %dma_start3A_142] : memref<256x128xf32, #tpu.memory_space<vmem>> -> memref<128x128xf32, #tpu.memory_space<vmem>>
      %dma_start3A_144 = arith.constant 0 : i32
      %dma_start3A_145 = tpu.memref_slice %arg9[%add3A_25, %dma_start3A_144] : memref<10240x128xf32, #tpu.memory_space<vmem_shared>> -> memref<128x128xf32, #tpu.memory_space<vmem_shared>>
      %dma_start3A_146 = arith.constant 0 : i32
      %dma_start3A_147 = tpu.memref_slice %arg9[%add3A_25, %dma_start3A_146] : memref<10240x128xf32, #tpu.memory_space<vmem_shared>> -> memref<128x128xf32, #tpu.memory_space<vmem_shared>>
      %dma_start3A_148 = arith.constant 0 : i32
      %dma_start3A_149 = arith.constant 0 : i32
      %dma_start3A_150 = tpu.memref_slice %arg8[%dma_start3A_148, %dma_start3A_149] : memref<256x128xf32, #tpu.memory_space<vmem>> -> memref<128x128xf32, #tpu.memory_space<vmem>>
      tpu.enqueue_dma source(%dma_start3A_150 : memref<128x128xf32, #tpu.memory_space<vmem>>) target(%dma_start3A_147 : memref<128x128xf32, #tpu.memory_space<vmem_shared>>) target_semaphore(%run_scoped3A : memref<!tpu.dma_semaphore, #tpu.memory_space<semaphore_mem>>)
      %dma_wait3A = arith.constant 0 : i32
      %dma_wait3A_151 = arith.constant 0 : i32
      %dma_wait3A_152 = tpu.memref_slice %arg8[%dma_wait3A, %dma_wait3A_151] : memref<256x128xf32, #tpu.memory_space<vmem>> -> memref<128x128xf32, #tpu.memory_space<vmem>>
      %dma_wait3A_153 = arith.constant 0 : i32
      %dma_wait3A_154 = tpu.memref_slice %arg9[%add3A_25, %dma_wait3A_153] : memref<10240x128xf32, #tpu.memory_space<vmem_shared>> -> memref<128x128xf32, #tpu.memory_space<vmem_shared>>
      %dma_wait3A_155 = arith.constant 0 : i32
      %dma_wait3A_156 = tpu.memref_slice %arg9[%add3A_25, %dma_wait3A_155] : memref<10240x128xf32, #tpu.memory_space<vmem_shared>> -> memref<128x128xf32, #tpu.memory_space<vmem_shared>>
      %dma_wait3A_157 = arith.constant 0 : i32
      %dma_wait3A_158 = arith.constant 0 : i32
      %dma_wait3A_159 = tpu.memref_slice %arg8[%dma_wait3A_157, %dma_wait3A_158] : memref<256x128xf32, #tpu.memory_space<vmem>> -> memref<128x128xf32, #tpu.memory_space<vmem>>
      tpu.wait_dma2 semaphore(%run_scoped3A : memref<!tpu.dma_semaphore, #tpu.memory_space<semaphore_mem>>) src(%dma_wait3A_159 : memref<128x128xf32, #tpu.memory_space<vmem>>) dst(%dma_wait3A_156 : memref<128x128xf32, #tpu.memory_space<vmem_shared>>)
      tpu.yield
    }) : () -> ()
    %barrier3A = arith.constant 0 : index
    tpu.barrier barrier_id(%barrier3A)
    %mul3A_26 = arith.constant 80 : i32
    %mul3A_27 = arith.muli %add3A, %mul3A_26 : i32
    %add3A_28 = arith.constant 0 : i32
    %add3A_29 = arith.addi %mul3A_27, %add3A_28 : i32
    "tpu.region"() ({
      %run_scoped3A = tpu.sem_alloc : memref<!tpu.dma_semaphore, #tpu.memory_space<semaphore_mem>>
      %dma_start3A_141 = arith.constant 0 : i32
      %dma_start3A_142 = tpu.memref_slice %arg3[%add3A_29, %dma_start3A_141] : memref<2560x128xi32, #tpu.memory_space<hbm>> -> memref<40x128xi32, #tpu.memory_space<hbm>>
      %dma_start3A_143 = arith.constant 0 : i32
      %dma_start3A_144 = tpu.memref_slice %arg3[%add3A_29, %dma_start3A_143] : memref<2560x128xi32, #tpu.memory_space<hbm>> -> memref<40x128xi32, #tpu.memory_space<hbm>>
      tpu.enqueue_dma source(%dma_start3A_144 : memref<40x128xi32, #tpu.memory_space<hbm>>) target(%arg6 : memref<40x128xi32, #tpu.memory_space<vmem>>) target_semaphore(%run_scoped3A : memref<!tpu.dma_semaphore, #tpu.memory_space<semaphore_mem>>)
      %dma_wait3A = arith.constant 0 : i32
      %dma_wait3A_145 = tpu.memref_slice %arg3[%add3A_29, %dma_wait3A] : memref<2560x128xi32, #tpu.memory_space<hbm>> -> memref<40x128xi32, #tpu.memory_space<hbm>>
      %dma_wait3A_146 = arith.constant 0 : i32
      %dma_wait3A_147 = tpu.memref_slice %arg3[%add3A_29, %dma_wait3A_146] : memref<2560x128xi32, #tpu.memory_space<hbm>> -> memref<40x128xi32, #tpu.memory_space<hbm>>
      tpu.wait_dma2 semaphore(%run_scoped3A : memref<!tpu.dma_semaphore, #tpu.memory_space<semaphore_mem>>) src(%dma_wait3A_147 : memref<40x128xi32, #tpu.memory_space<hbm>>) dst(%arg6 : memref<40x128xi32, #tpu.memory_space<vmem>>)
      tpu.yield
    }) : () -> ()
    "tpu.region"() ({
      %run_scoped3A = tpu.sem_alloc : memref<!tpu.dma_semaphore, #tpu.memory_space<semaphore_mem>>
      %dma_start3A_141 = arith.constant 0 : i32
      %dma_start3A_142 = tpu.memref_slice %arg4[%add3A_29, %dma_start3A_141] : memref<2560x128xi32, #tpu.memory_space<hbm>> -> memref<40x128xi32, #tpu.memory_space<hbm>>
      %dma_start3A_143 = arith.constant 0 : i32
      %dma_start3A_144 = tpu.memref_slice %arg4[%add3A_29, %dma_start3A_143] : memref<2560x128xi32, #tpu.memory_space<hbm>> -> memref<40x128xi32, #tpu.memory_space<hbm>>
      tpu.enqueue_dma source(%dma_start3A_144 : memref<40x128xi32, #tpu.memory_space<hbm>>) target(%arg7 : memref<40x128xi32, #tpu.memory_space<vmem>>) target_semaphore(%run_scoped3A : memref<!tpu.dma_semaphore, #tpu.memory_space<semaphore_mem>>)
      %dma_wait3A = arith.constant 0 : i32
      %dma_wait3A_145 = tpu.memref_slice %arg4[%add3A_29, %dma_wait3A] : memref<2560x128xi32, #tpu.memory_space<hbm>> -> memref<40x128xi32, #tpu.memory_space<hbm>>
      %dma_wait3A_146 = arith.constant 0 : i32
      %dma_wait3A_147 = tpu.memref_slice %arg4[%add3A_29, %dma_wait3A_146] : memref<2560x128xi32, #tpu.memory_space<hbm>> -> memref<40x128xi32, #tpu.memory_space<hbm>>
      tpu.wait_dma2 semaphore(%run_scoped3A : memref<!tpu.dma_semaphore, #tpu.memory_space<semaphore_mem>>) src(%dma_wait3A_147 : memref<40x128xi32, #tpu.memory_space<hbm>>) dst(%arg7 : memref<40x128xi32, #tpu.memory_space<vmem>>)
      tpu.yield
    }) : () -> ()
    %dma_start3A = arith.constant 0 : i32
    %dma_start3A_30 = arith.constant 0 : i32
    %dma_start3A_31 = arith.constant 0 : i32
    %dma_start3A_32 = tpu.memref_slice %arg8[%dma_start3A_30, %dma_start3A_31] : memref<256x128xf32, #tpu.memory_space<vmem>> -> memref<128x128xf32, #tpu.memory_space<vmem>>
    %dma_start3A_33 = arith.constant 0 : i32
    %dma_start3A_34 = tpu.memref_slice %arg6[%dma_start3A, %dma_start3A_33] : memref<40x128xi32, #tpu.memory_space<vmem>> -> memref<1x128xi32, #tpu.memory_space<vmem>>
    %dma_start3A_35 = tpu.memref_squeeze %dma_start3A_34 : memref<1x128xi32, #tpu.memory_space<vmem>> -> memref<128xi32, #tpu.memory_space<vmem>>
    %dma_start3A_36 = arith.constant 0 : i32
    %dma_start3A_37 = arith.constant 0 : i32
    %dma_start3A_38 = tpu.memref_slice %arg2[%dma_start3A_36, %dma_start3A_37] : memref<10000x128xf32, #tpu.memory_space<hbm>> -> memref<10000x128xf32, #tpu.memory_space<hbm>>
    tpu.enqueue_indirect_dma source(%dma_start3A_38 : memref<10000x128xf32, #tpu.memory_space<hbm>>) target(%dma_start3A_32 : memref<128x128xf32, #tpu.memory_space<vmem>>) offsets(%dma_start3A_35 : memref<128xi32, #tpu.memory_space<vmem>>) semaphore(%arg10 : memref<!tpu.dma_semaphore, #tpu.memory_space<semaphore_mem>>)
    %dma_start3A_39 = arith.constant 1 : i32
    %dma_start3A_40 = arith.constant 128 : i32
    %dma_start3A_41 = arith.constant 0 : i32
    %dma_start3A_42 = tpu.memref_slice %arg8[%dma_start3A_40, %dma_start3A_41] : memref<256x128xf32, #tpu.memory_space<vmem>> -> memref<128x128xf32, #tpu.memory_space<vmem>>
    %dma_start3A_43 = arith.constant 0 : i32
    %dma_start3A_44 = tpu.memref_slice %arg6[%dma_start3A_39, %dma_start3A_43] : memref<40x128xi32, #tpu.memory_space<vmem>> -> memref<1x128xi32, #tpu.memory_space<vmem>>
    %dma_start3A_45 = tpu.memref_squeeze %dma_start3A_44 : memref<1x128xi32, #tpu.memory_space<vmem>> -> memref<128xi32, #tpu.memory_space<vmem>>
    %dma_start3A_46 = arith.constant 0 : i32
    %dma_start3A_47 = arith.constant 0 : i32
    %dma_start3A_48 = tpu.memref_slice %arg2[%dma_start3A_46, %dma_start3A_47] : memref<10000x128xf32, #tpu.memory_space<hbm>> -> memref<10000x128xf32, #tpu.memory_space<hbm>>
    tpu.enqueue_indirect_dma source(%dma_start3A_48 : memref<10000x128xf32, #tpu.memory_space<hbm>>) target(%dma_start3A_42 : memref<128x128xf32, #tpu.memory_space<vmem>>) offsets(%dma_start3A_45 : memref<128xi32, #tpu.memory_space<vmem>>) semaphore(%arg11 : memref<!tpu.dma_semaphore, #tpu.memory_space<semaphore_mem>>)
    %scan3A_49 = arith.constant 0 : i32
    %scan3A_50 = arith.constant 0 : i32
    %scan3A_51 = arith.constant 20 : i32
    %scan3A_52 = arith.addi %scan3A_50, %scan3A_51 : i32
    %scan3A_53 = arith.constant 1 : i32
    scf.for %scan3A_141 = %scan3A_50 to %scan3A_52 step %scan3A_53  : i32 {
      %mul3A_142 = arith.constant 2 : i32
      %mul3A_143 = arith.muli %scan3A_141, %mul3A_142 : i32
      %add3A_144 = arith.constant 0 : i32
      %add3A_145 = arith.addi %mul3A_143, %add3A_144 : i32
      %dma_wait3A = arith.constant 0 : i32
      %dma_wait3A_146 = arith.constant 0 : i32
      %dma_wait3A_147 = tpu.memref_slice %arg8[%dma_wait3A, %dma_wait3A_146] : memref<256x128xf32, #tpu.memory_space<vmem>> -> memref<128x128xf32, #tpu.memory_space<vmem>>
      %dma_wait3A_148 = arith.constant 0 : i32
      %dma_wait3A_149 = tpu.memref_slice %arg6[%add3A_145, %dma_wait3A_148] : memref<40x128xi32, #tpu.memory_space<vmem>> -> memref<1x128xi32, #tpu.memory_space<vmem>>
      %dma_wait3A_150 = tpu.memref_squeeze %dma_wait3A_149 : memref<1x128xi32, #tpu.memory_space<vmem>> -> memref<128xi32, #tpu.memory_space<vmem>>
      %dma_wait3A_151 = arith.constant 0 : i32
      %dma_wait3A_152 = arith.constant 0 : i32
      %dma_wait3A_153 = tpu.memref_slice %arg2[%dma_wait3A_151, %dma_wait3A_152] : memref<10000x128xf32, #tpu.memory_space<hbm>> -> memref<10000x128xf32, #tpu.memory_space<hbm>>
      tpu.wait_indirect_dma semaphore(%arg10 : memref<!tpu.dma_semaphore, #tpu.memory_space<semaphore_mem>>) src(%dma_wait3A_153 : memref<10000x128xf32, #tpu.memory_space<hbm>>) dst(%dma_wait3A_147 : memref<128x128xf32, #tpu.memory_space<vmem>>)
      %dma_start3A_154 = arith.constant 0 : i32
      %dma_start3A_155 = arith.constant 0 : i32
      %dma_start3A_156 = tpu.memref_slice %arg8[%dma_start3A_154, %dma_start3A_155] : memref<256x128xf32, #tpu.memory_space<vmem>> -> memref<128x128xf32, #tpu.memory_space<vmem>>
      %dma_start3A_157 = arith.constant 0 : i32
      %dma_start3A_158 = tpu.memref_slice %arg7[%add3A_145, %dma_start3A_157] : memref<40x128xi32, #tpu.memory_space<vmem>> -> memref<1x128xi32, #tpu.memory_space<vmem>>
      %dma_start3A_159 = tpu.memref_squeeze %dma_start3A_158 : memref<1x128xi32, #tpu.memory_space<vmem>> -> memref<128xi32, #tpu.memory_space<vmem>>
      %dma_start3A_160 = arith.constant 0 : i32
      %dma_start3A_161 = arith.constant 0 : i32
      %dma_start3A_162 = tpu.memref_slice %arg9[%dma_start3A_160, %dma_start3A_161] : memref<10240x128xf32, #tpu.memory_space<vmem_shared>> -> memref<10240x128xf32, #tpu.memory_space<vmem_shared>>
      tpu.enqueue_indirect_dma source(%dma_start3A_156 : memref<128x128xf32, #tpu.memory_space<vmem>>) target(%dma_start3A_162 : memref<10240x128xf32, #tpu.memory_space<vmem_shared>>) offsets(%dma_start3A_159 : memref<128xi32, #tpu.memory_space<vmem>>) semaphore(%arg12 : memref<!tpu.dma_semaphore, #tpu.memory_space<semaphore_mem>>) {add = true}
      %add3A_163 = arith.constant 1 : i32
      %add3A_164 = arith.addi %mul3A_143, %add3A_163 : i32
      %dma_wait3A_165 = arith.constant 128 : i32
      %dma_wait3A_166 = arith.constant 0 : i32
      %dma_wait3A_167 = tpu.memref_slice %arg8[%dma_wait3A_165, %dma_wait3A_166] : memref<256x128xf32, #tpu.memory_space<vmem>> -> memref<128x128xf32, #tpu.memory_space<vmem>>
      %dma_wait3A_168 = arith.constant 0 : i32
      %dma_wait3A_169 = tpu.memref_slice %arg6[%add3A_164, %dma_wait3A_168] : memref<40x128xi32, #tpu.memory_space<vmem>> -> memref<1x128xi32, #tpu.memory_space<vmem>>
      %dma_wait3A_170 = tpu.memref_squeeze %dma_wait3A_169 : memref<1x128xi32, #tpu.memory_space<vmem>> -> memref<128xi32, #tpu.memory_space<vmem>>
      %dma_wait3A_171 = arith.constant 0 : i32
      %dma_wait3A_172 = arith.constant 0 : i32
      %dma_wait3A_173 = tpu.memref_slice %arg2[%dma_wait3A_171, %dma_wait3A_172] : memref<10000x128xf32, #tpu.memory_space<hbm>> -> memref<10000x128xf32, #tpu.memory_space<hbm>>
      tpu.wait_indirect_dma semaphore(%arg11 : memref<!tpu.dma_semaphore, #tpu.memory_space<semaphore_mem>>) src(%dma_wait3A_173 : memref<10000x128xf32, #tpu.memory_space<hbm>>) dst(%dma_wait3A_167 : memref<128x128xf32, #tpu.memory_space<vmem>>)
      %dma_start3A_174 = arith.constant 128 : i32
      %dma_start3A_175 = arith.constant 0 : i32
      %dma_start3A_176 = tpu.memref_slice %arg8[%dma_start3A_174, %dma_start3A_175] : memref<256x128xf32, #tpu.memory_space<vmem>> -> memref<128x128xf32, #tpu.memory_space<vmem>>
      %dma_start3A_177 = arith.constant 0 : i32
      %dma_start3A_178 = tpu.memref_slice %arg7[%add3A_164, %dma_start3A_177] : memref<40x128xi32, #tpu.memory_space<vmem>> -> memref<1x128xi32, #tpu.memory_space<vmem>>
      %dma_start3A_179 = tpu.memref_squeeze %dma_start3A_178 : memref<1x128xi32, #tpu.memory_space<vmem>> -> memref<128xi32, #tpu.memory_space<vmem>>
      %dma_start3A_180 = arith.constant 0 : i32
      %dma_start3A_181 = arith.constant 0 : i32
      %dma_start3A_182 = tpu.memref_slice %arg9[%dma_start3A_180, %dma_start3A_181] : memref<10240x128xf32, #tpu.memory_space<vmem_shared>> -> memref<10240x128xf32, #tpu.memory_space<vmem_shared>>
      tpu.enqueue_indirect_dma source(%dma_start3A_176 : memref<128x128xf32, #tpu.memory_space<vmem>>) target(%dma_start3A_182 : memref<10240x128xf32, #tpu.memory_space<vmem_shared>>) offsets(%dma_start3A_179 : memref<128xi32, #tpu.memory_space<vmem>>) semaphore(%arg13 : memref<!tpu.dma_semaphore, #tpu.memory_space<semaphore_mem>>) {add = true}
      %add3A_183 = arith.constant 0 : i32
      %add3A_184 = arith.addi %mul3A_143, %add3A_183 : i32
      %dma_wait3A_185 = arith.constant 0 : i32
      %dma_wait3A_186 = arith.constant 0 : i32
      %dma_wait3A_187 = tpu.memref_slice %arg8[%dma_wait3A_185, %dma_wait3A_186] : memref<256x128xf32, #tpu.memory_space<vmem>> -> memref<128x128xf32, #tpu.memory_space<vmem>>
      %dma_wait3A_188 = arith.constant 0 : i32
      %dma_wait3A_189 = tpu.memref_slice %arg7[%add3A_184, %dma_wait3A_188] : memref<40x128xi32, #tpu.memory_space<vmem>> -> memref<1x128xi32, #tpu.memory_space<vmem>>
      %dma_wait3A_190 = tpu.memref_squeeze %dma_wait3A_189 : memref<1x128xi32, #tpu.memory_space<vmem>> -> memref<128xi32, #tpu.memory_space<vmem>>
      %dma_wait3A_191 = arith.constant 0 : i32
      %dma_wait3A_192 = arith.constant 0 : i32
      %dma_wait3A_193 = tpu.memref_slice %arg9[%dma_wait3A_191, %dma_wait3A_192] : memref<10240x128xf32, #tpu.memory_space<vmem_shared>> -> memref<10240x128xf32, #tpu.memory_space<vmem_shared>>
      tpu.wait_indirect_dma semaphore(%arg12 : memref<!tpu.dma_semaphore, #tpu.memory_space<semaphore_mem>>) src(%dma_wait3A_187 : memref<128x128xf32, #tpu.memory_space<vmem>>) dst(%dma_wait3A_193 : memref<10240x128xf32, #tpu.memory_space<vmem_shared>>)
      %add3A_194 = arith.constant 2 : i32
      %add3A_195 = arith.addi %add3A_184, %add3A_194 : i32
      %lt3A = arith.constant 40 : i32
      %lt3A_196 = arith.cmpi slt, %add3A_195, %lt3A : i32
      %convert_element_type3A = arith.extui %lt3A_196 : i1 to i32
      %cond3A = arith.constant 0 : i32
      %cond3A_197 = arith.cmpi ne, %convert_element_type3A, %cond3A : i32
      scf.if %cond3A_197 {
        %dma_start3A_216 = arith.constant 0 : i32
        %dma_start3A_217 = arith.constant 0 : i32
        %dma_start3A_218 = tpu.memref_slice %arg8[%dma_start3A_216, %dma_start3A_217] : memref<256x128xf32, #tpu.memory_space<vmem>> -> memref<128x128xf32, #tpu.memory_space<vmem>>
        %dma_start3A_219 = arith.constant 0 : i32
        %dma_start3A_220 = tpu.memref_slice %arg6[%add3A_195, %dma_start3A_219] : memref<40x128xi32, #tpu.memory_space<vmem>> -> memref<1x128xi32, #tpu.memory_space<vmem>>
        %dma_start3A_221 = tpu.memref_squeeze %dma_start3A_220 : memref<1x128xi32, #tpu.memory_space<vmem>> -> memref<128xi32, #tpu.memory_space<vmem>>
        %dma_start3A_222 = arith.constant 0 : i32
        %dma_start3A_223 = arith.constant 0 : i32
        %dma_start3A_224 = tpu.memref_slice %arg2[%dma_start3A_222, %dma_start3A_223] : memref<10000x128xf32, #tpu.memory_space<hbm>> -> memref<10000x128xf32, #tpu.memory_space<hbm>>
        tpu.enqueue_indirect_dma source(%dma_start3A_224 : memref<10000x128xf32, #tpu.memory_space<hbm>>) target(%dma_start3A_218 : memref<128x128xf32, #tpu.memory_space<vmem>>) offsets(%dma_start3A_221 : memref<128xi32, #tpu.memory_space<vmem>>) semaphore(%arg10 : memref<!tpu.dma_semaphore, #tpu.memory_space<semaphore_mem>>)
      } else {
      }
      %add3A_198 = arith.constant 1 : i32
      %add3A_199 = arith.addi %mul3A_143, %add3A_198 : i32
      %dma_wait3A_200 = arith.constant 128 : i32
      %dma_wait3A_201 = arith.constant 0 : i32
      %dma_wait3A_202 = tpu.memref_slice %arg8[%dma_wait3A_200, %dma_wait3A_201] : memref<256x128xf32, #tpu.memory_space<vmem>> -> memref<128x128xf32, #tpu.memory_space<vmem>>
      %dma_wait3A_203 = arith.constant 0 : i32
      %dma_wait3A_204 = tpu.memref_slice %arg7[%add3A_199, %dma_wait3A_203] : memref<40x128xi32, #tpu.memory_space<vmem>> -> memref<1x128xi32, #tpu.memory_space<vmem>>
      %dma_wait3A_205 = tpu.memref_squeeze %dma_wait3A_204 : memref<1x128xi32, #tpu.memory_space<vmem>> -> memref<128xi32, #tpu.memory_space<vmem>>
      %dma_wait3A_206 = arith.constant 0 : i32
      %dma_wait3A_207 = arith.constant 0 : i32
      %dma_wait3A_208 = tpu.memref_slice %arg9[%dma_wait3A_206, %dma_wait3A_207] : memref<10240x128xf32, #tpu.memory_space<vmem_shared>> -> memref<10240x128xf32, #tpu.memory_space<vmem_shared>>
      tpu.wait_indirect_dma semaphore(%arg13 : memref<!tpu.dma_semaphore, #tpu.memory_space<semaphore_mem>>) src(%dma_wait3A_202 : memref<128x128xf32, #tpu.memory_space<vmem>>) dst(%dma_wait3A_208 : memref<10240x128xf32, #tpu.memory_space<vmem_shared>>)
      %add3A_209 = arith.constant 2 : i32
      %add3A_210 = arith.addi %add3A_199, %add3A_209 : i32
      %lt3A_211 = arith.constant 40 : i32
      %lt3A_212 = arith.cmpi slt, %add3A_210, %lt3A_211 : i32
      %convert_element_type3A_213 = arith.extui %lt3A_212 : i1 to i32
      %cond3A_214 = arith.constant 0 : i32
      %cond3A_215 = arith.cmpi ne, %convert_element_type3A_213, %cond3A_214 : i32
      scf.if %cond3A_215 {
        %dma_start3A_216 = arith.constant 128 : i32
        %dma_start3A_217 = arith.constant 0 : i32
        %dma_start3A_218 = tpu.memref_slice %arg8[%dma_start3A_216, %dma_start3A_217] : memref<256x128xf32, #tpu.memory_space<vmem>> -> memref<128x128xf32, #tpu.memory_space<vmem>>
        %dma_start3A_219 = arith.constant 0 : i32
        %dma_start3A_220 = tpu.memref_slice %arg6[%add3A_210, %dma_start3A_219] : memref<40x128xi32, #tpu.memory_space<vmem>> -> memref<1x128xi32, #tpu.memory_space<vmem>>
        %dma_start3A_221 = tpu.memref_squeeze %dma_start3A_220 : memref<1x128xi32, #tpu.memory_space<vmem>> -> memref<128xi32, #tpu.memory_space<vmem>>
        %dma_start3A_222 = arith.constant 0 : i32
        %dma_start3A_223 = arith.constant 0 : i32
        %dma_start3A_224 = tpu.memref_slice %arg2[%dma_start3A_222, %dma_start3A_223] : memref<10000x128xf32, #tpu.memory_space<hbm>> -> memref<10000x128xf32, #tpu.memory_space<hbm>>
        tpu.enqueue_indirect_dma source(%dma_start3A_224 : memref<10000x128xf32, #tpu.memory_space<hbm>>) target(%dma_start3A_218 : memref<128x128xf32, #tpu.memory_space<vmem>>) offsets(%dma_start3A_221 : memref<128xi32, #tpu.memory_space<vmem>>) semaphore(%arg11 : memref<!tpu.dma_semaphore, #tpu.memory_space<semaphore_mem>>)
      } else {
      }
    }
    %scan3A_54 = arith.constant 20 : i32
    %mul3A_55 = arith.constant 80 : i32
    %mul3A_56 = arith.muli %add3A, %mul3A_55 : i32
    %add3A_57 = arith.constant 40 : i32
    %add3A_58 = arith.addi %mul3A_56, %add3A_57 : i32
    "tpu.region"() ({
      %run_scoped3A = tpu.sem_alloc : memref<!tpu.dma_semaphore, #tpu.memory_space<semaphore_mem>>
      %dma_start3A_141 = arith.constant 0 : i32
      %dma_start3A_142 = tpu.memref_slice %arg3[%add3A_58, %dma_start3A_141] : memref<2560x128xi32, #tpu.memory_space<hbm>> -> memref<40x128xi32, #tpu.memory_space<hbm>>
      %dma_start3A_143 = arith.constant 0 : i32
      %dma_start3A_144 = tpu.memref_slice %arg3[%add3A_58, %dma_start3A_143] : memref<2560x128xi32, #tpu.memory_space<hbm>> -> memref<40x128xi32, #tpu.memory_space<hbm>>
      tpu.enqueue_dma source(%dma_start3A_144 : memref<40x128xi32, #tpu.memory_space<hbm>>) target(%arg6 : memref<40x128xi32, #tpu.memory_space<vmem>>) target_semaphore(%run_scoped3A : memref<!tpu.dma_semaphore, #tpu.memory_space<semaphore_mem>>)
      %dma_wait3A = arith.constant 0 : i32
      %dma_wait3A_145 = tpu.memref_slice %arg3[%add3A_58, %dma_wait3A] : memref<2560x128xi32, #tpu.memory_space<hbm>> -> memref<40x128xi32, #tpu.memory_space<hbm>>
      %dma_wait3A_146 = arith.constant 0 : i32
      %dma_wait3A_147 = tpu.memref_slice %arg3[%add3A_58, %dma_wait3A_146] : memref<2560x128xi32, #tpu.memory_space<hbm>> -> memref<40x128xi32, #tpu.memory_space<hbm>>
      tpu.wait_dma2 semaphore(%run_scoped3A : memref<!tpu.dma_semaphore, #tpu.memory_space<semaphore_mem>>) src(%dma_wait3A_147 : memref<40x128xi32, #tpu.memory_space<hbm>>) dst(%arg6 : memref<40x128xi32, #tpu.memory_space<vmem>>)
      tpu.yield
    }) : () -> ()
    "tpu.region"() ({
      %run_scoped3A = tpu.sem_alloc : memref<!tpu.dma_semaphore, #tpu.memory_space<semaphore_mem>>
      %dma_start3A_141 = arith.constant 0 : i32
      %dma_start3A_142 = tpu.memref_slice %arg4[%add3A_58, %dma_start3A_141] : memref<2560x128xi32, #tpu.memory_space<hbm>> -> memref<40x128xi32, #tpu.memory_space<hbm>>
      %dma_start3A_143 = arith.constant 0 : i32
      %dma_start3A_144 = tpu.memref_slice %arg4[%add3A_58, %dma_start3A_143] : memref<2560x128xi32, #tpu.memory_space<hbm>> -> memref<40x128xi32, #tpu.memory_space<hbm>>
      tpu.enqueue_dma source(%dma_start3A_144 : memref<40x128xi32, #tpu.memory_space<hbm>>) target(%arg7 : memref<40x128xi32, #tpu.memory_space<vmem>>) target_semaphore(%run_scoped3A : memref<!tpu.dma_semaphore, #tpu.memory_space<semaphore_mem>>)
      %dma_wait3A = arith.constant 0 : i32
      %dma_wait3A_145 = tpu.memref_slice %arg4[%add3A_58, %dma_wait3A] : memref<2560x128xi32, #tpu.memory_space<hbm>> -> memref<40x128xi32, #tpu.memory_space<hbm>>
      %dma_wait3A_146 = arith.constant 0 : i32
      %dma_wait3A_147 = tpu.memref_slice %arg4[%add3A_58, %dma_wait3A_146] : memref<2560x128xi32, #tpu.memory_space<hbm>> -> memref<40x128xi32, #tpu.memory_space<hbm>>
      tpu.wait_dma2 semaphore(%run_scoped3A : memref<!tpu.dma_semaphore, #tpu.memory_space<semaphore_mem>>) src(%dma_wait3A_147 : memref<40x128xi32, #tpu.memory_space<hbm>>) dst(%arg7 : memref<40x128xi32, #tpu.memory_space<vmem>>)
      tpu.yield
    }) : () -> ()
    %dma_start3A_59 = arith.constant 0 : i32
    %dma_start3A_60 = arith.constant 0 : i32
    %dma_start3A_61 = arith.constant 0 : i32
    %dma_start3A_62 = tpu.memref_slice %arg8[%dma_start3A_60, %dma_start3A_61] : memref<256x128xf32, #tpu.memory_space<vmem>> -> memref<128x128xf32, #tpu.memory_space<vmem>>
    %dma_start3A_63 = arith.constant 0 : i32
    %dma_start3A_64 = tpu.memref_slice %arg6[%dma_start3A_59, %dma_start3A_63] : memref<40x128xi32, #tpu.memory_space<vmem>> -> memref<1x128xi32, #tpu.memory_space<vmem>>
    %dma_start3A_65 = tpu.memref_squeeze %dma_start3A_64 : memref<1x128xi32, #tpu.memory_space<vmem>> -> memref<128xi32, #tpu.memory_space<vmem>>
    %dma_start3A_66 = arith.constant 0 : i32
    %dma_start3A_67 = arith.constant 0 : i32
    %dma_start3A_68 = tpu.memref_slice %arg2[%dma_start3A_66, %dma_start3A_67] : memref<10000x128xf32, #tpu.memory_space<hbm>> -> memref<10000x128xf32, #tpu.memory_space<hbm>>
    tpu.enqueue_indirect_dma source(%dma_start3A_68 : memref<10000x128xf32, #tpu.memory_space<hbm>>) target(%dma_start3A_62 : memref<128x128xf32, #tpu.memory_space<vmem>>) offsets(%dma_start3A_65 : memref<128xi32, #tpu.memory_space<vmem>>) semaphore(%arg10 : memref<!tpu.dma_semaphore, #tpu.memory_space<semaphore_mem>>)
    %dma_start3A_69 = arith.constant 1 : i32
    %dma_start3A_70 = arith.constant 128 : i32
    %dma_start3A_71 = arith.constant 0 : i32
    %dma_start3A_72 = tpu.memref_slice %arg8[%dma_start3A_70, %dma_start3A_71] : memref<256x128xf32, #tpu.memory_space<vmem>> -> memref<128x128xf32, #tpu.memory_space<vmem>>
    %dma_start3A_73 = arith.constant 0 : i32
    %dma_start3A_74 = tpu.memref_slice %arg6[%dma_start3A_69, %dma_start3A_73] : memref<40x128xi32, #tpu.memory_space<vmem>> -> memref<1x128xi32, #tpu.memory_space<vmem>>
    %dma_start3A_75 = tpu.memref_squeeze %dma_start3A_74 : memref<1x128xi32, #tpu.memory_space<vmem>> -> memref<128xi32, #tpu.memory_space<vmem>>
    %dma_start3A_76 = arith.constant 0 : i32
    %dma_start3A_77 = arith.constant 0 : i32
    %dma_start3A_78 = tpu.memref_slice %arg2[%dma_start3A_76, %dma_start3A_77] : memref<10000x128xf32, #tpu.memory_space<hbm>> -> memref<10000x128xf32, #tpu.memory_space<hbm>>
    tpu.enqueue_indirect_dma source(%dma_start3A_78 : memref<10000x128xf32, #tpu.memory_space<hbm>>) target(%dma_start3A_72 : memref<128x128xf32, #tpu.memory_space<vmem>>) offsets(%dma_start3A_75 : memref<128xi32, #tpu.memory_space<vmem>>) semaphore(%arg11 : memref<!tpu.dma_semaphore, #tpu.memory_space<semaphore_mem>>)
    %scan3A_79 = arith.constant 0 : i32
    %scan3A_80 = arith.constant 0 : i32
    %scan3A_81 = arith.constant 20 : i32
    %scan3A_82 = arith.addi %scan3A_80, %scan3A_81 : i32
    %scan3A_83 = arith.constant 1 : i32
    scf.for %scan3A_141 = %scan3A_80 to %scan3A_82 step %scan3A_83  : i32 {
      %mul3A_142 = arith.constant 2 : i32
      %mul3A_143 = arith.muli %scan3A_141, %mul3A_142 : i32
      %add3A_144 = arith.constant 0 : i32
      %add3A_145 = arith.addi %mul3A_143, %add3A_144 : i32
      %dma_wait3A = arith.constant 0 : i32
      %dma_wait3A_146 = arith.constant 0 : i32
      %dma_wait3A_147 = tpu.memref_slice %arg8[%dma_wait3A, %dma_wait3A_146] : memref<256x128xf32, #tpu.memory_space<vmem>> -> memref<128x128xf32, #tpu.memory_space<vmem>>
      %dma_wait3A_148 = arith.constant 0 : i32
      %dma_wait3A_149 = tpu.memref_slice %arg6[%add3A_145, %dma_wait3A_148] : memref<40x128xi32, #tpu.memory_space<vmem>> -> memref<1x128xi32, #tpu.memory_space<vmem>>
      %dma_wait3A_150 = tpu.memref_squeeze %dma_wait3A_149 : memref<1x128xi32, #tpu.memory_space<vmem>> -> memref<128xi32, #tpu.memory_space<vmem>>
      %dma_wait3A_151 = arith.constant 0 : i32
      %dma_wait3A_152 = arith.constant 0 : i32
      %dma_wait3A_153 = tpu.memref_slice %arg2[%dma_wait3A_151, %dma_wait3A_152] : memref<10000x128xf32, #tpu.memory_space<hbm>> -> memref<10000x128xf32, #tpu.memory_space<hbm>>
      tpu.wait_indirect_dma semaphore(%arg10 : memref<!tpu.dma_semaphore, #tpu.memory_space<semaphore_mem>>) src(%dma_wait3A_153 : memref<10000x128xf32, #tpu.memory_space<hbm>>) dst(%dma_wait3A_147 : memref<128x128xf32, #tpu.memory_space<vmem>>)
      %dma_start3A_154 = arith.constant 0 : i32
      %dma_start3A_155 = arith.constant 0 : i32
      %dma_start3A_156 = tpu.memref_slice %arg8[%dma_start3A_154, %dma_start3A_155] : memref<256x128xf32, #tpu.memory_space<vmem>> -> memref<128x128xf32, #tpu.memory_space<vmem>>
      %dma_start3A_157 = arith.constant 0 : i32
      %dma_start3A_158 = tpu.memref_slice %arg7[%add3A_145, %dma_start3A_157] : memref<40x128xi32, #tpu.memory_space<vmem>> -> memref<1x128xi32, #tpu.memory_space<vmem>>
      %dma_start3A_159 = tpu.memref_squeeze %dma_start3A_158 : memref<1x128xi32, #tpu.memory_space<vmem>> -> memref<128xi32, #tpu.memory_space<vmem>>
      %dma_start3A_160 = arith.constant 0 : i32
      %dma_start3A_161 = arith.constant 0 : i32
      %dma_start3A_162 = tpu.memref_slice %arg9[%dma_start3A_160, %dma_start3A_161] : memref<10240x128xf32, #tpu.memory_space<vmem_shared>> -> memref<10240x128xf32, #tpu.memory_space<vmem_shared>>
      tpu.enqueue_indirect_dma source(%dma_start3A_156 : memref<128x128xf32, #tpu.memory_space<vmem>>) target(%dma_start3A_162 : memref<10240x128xf32, #tpu.memory_space<vmem_shared>>) offsets(%dma_start3A_159 : memref<128xi32, #tpu.memory_space<vmem>>) semaphore(%arg12 : memref<!tpu.dma_semaphore, #tpu.memory_space<semaphore_mem>>) {add = true}
      %add3A_163 = arith.constant 1 : i32
      %add3A_164 = arith.addi %mul3A_143, %add3A_163 : i32
      %dma_wait3A_165 = arith.constant 128 : i32
      %dma_wait3A_166 = arith.constant 0 : i32
      %dma_wait3A_167 = tpu.memref_slice %arg8[%dma_wait3A_165, %dma_wait3A_166] : memref<256x128xf32, #tpu.memory_space<vmem>> -> memref<128x128xf32, #tpu.memory_space<vmem>>
      %dma_wait3A_168 = arith.constant 0 : i32
      %dma_wait3A_169 = tpu.memref_slice %arg6[%add3A_164, %dma_wait3A_168] : memref<40x128xi32, #tpu.memory_space<vmem>> -> memref<1x128xi32, #tpu.memory_space<vmem>>
      %dma_wait3A_170 = tpu.memref_squeeze %dma_wait3A_169 : memref<1x128xi32, #tpu.memory_space<vmem>> -> memref<128xi32, #tpu.memory_space<vmem>>
      %dma_wait3A_171 = arith.constant 0 : i32
      %dma_wait3A_172 = arith.constant 0 : i32
      %dma_wait3A_173 = tpu.memref_slice %arg2[%dma_wait3A_171, %dma_wait3A_172] : memref<10000x128xf32, #tpu.memory_space<hbm>> -> memref<10000x128xf32, #tpu.memory_space<hbm>>
      tpu.wait_indirect_dma semaphore(%arg11 : memref<!tpu.dma_semaphore, #tpu.memory_space<semaphore_mem>>) src(%dma_wait3A_173 : memref<10000x128xf32, #tpu.memory_space<hbm>>) dst(%dma_wait3A_167 : memref<128x128xf32, #tpu.memory_space<vmem>>)
      %dma_start3A_174 = arith.constant 128 : i32
      %dma_start3A_175 = arith.constant 0 : i32
      %dma_start3A_176 = tpu.memref_slice %arg8[%dma_start3A_174, %dma_start3A_175] : memref<256x128xf32, #tpu.memory_space<vmem>> -> memref<128x128xf32, #tpu.memory_space<vmem>>
      %dma_start3A_177 = arith.constant 0 : i32
      %dma_start3A_178 = tpu.memref_slice %arg7[%add3A_164, %dma_start3A_177] : memref<40x128xi32, #tpu.memory_space<vmem>> -> memref<1x128xi32, #tpu.memory_space<vmem>>
      %dma_start3A_179 = tpu.memref_squeeze %dma_start3A_178 : memref<1x128xi32, #tpu.memory_space<vmem>> -> memref<128xi32, #tpu.memory_space<vmem>>
      %dma_start3A_180 = arith.constant 0 : i32
      %dma_start3A_181 = arith.constant 0 : i32
      %dma_start3A_182 = tpu.memref_slice %arg9[%dma_start3A_180, %dma_start3A_181] : memref<10240x128xf32, #tpu.memory_space<vmem_shared>> -> memref<10240x128xf32, #tpu.memory_space<vmem_shared>>
      tpu.enqueue_indirect_dma source(%dma_start3A_176 : memref<128x128xf32, #tpu.memory_space<vmem>>) target(%dma_start3A_182 : memref<10240x128xf32, #tpu.memory_space<vmem_shared>>) offsets(%dma_start3A_179 : memref<128xi32, #tpu.memory_space<vmem>>) semaphore(%arg13 : memref<!tpu.dma_semaphore, #tpu.memory_space<semaphore_mem>>) {add = true}
      %add3A_183 = arith.constant 0 : i32
      %add3A_184 = arith.addi %mul3A_143, %add3A_183 : i32
      %dma_wait3A_185 = arith.constant 0 : i32
      %dma_wait3A_186 = arith.constant 0 : i32
      %dma_wait3A_187 = tpu.memref_slice %arg8[%dma_wait3A_185, %dma_wait3A_186] : memref<256x128xf32, #tpu.memory_space<vmem>> -> memref<128x128xf32, #tpu.memory_space<vmem>>
      %dma_wait3A_188 = arith.constant 0 : i32
      %dma_wait3A_189 = tpu.memref_slice %arg7[%add3A_184, %dma_wait3A_188] : memref<40x128xi32, #tpu.memory_space<vmem>> -> memref<1x128xi32, #tpu.memory_space<vmem>>
      %dma_wait3A_190 = tpu.memref_squeeze %dma_wait3A_189 : memref<1x128xi32, #tpu.memory_space<vmem>> -> memref<128xi32, #tpu.memory_space<vmem>>
      %dma_wait3A_191 = arith.constant 0 : i32
      %dma_wait3A_192 = arith.constant 0 : i32
      %dma_wait3A_193 = tpu.memref_slice %arg9[%dma_wait3A_191, %dma_wait3A_192] : memref<10240x128xf32, #tpu.memory_space<vmem_shared>> -> memref<10240x128xf32, #tpu.memory_space<vmem_shared>>
      tpu.wait_indirect_dma semaphore(%arg12 : memref<!tpu.dma_semaphore, #tpu.memory_space<semaphore_mem>>) src(%dma_wait3A_187 : memref<128x128xf32, #tpu.memory_space<vmem>>) dst(%dma_wait3A_193 : memref<10240x128xf32, #tpu.memory_space<vmem_shared>>)
      %add3A_194 = arith.constant 2 : i32
      %add3A_195 = arith.addi %add3A_184, %add3A_194 : i32
      %lt3A = arith.constant 40 : i32
      %lt3A_196 = arith.cmpi slt, %add3A_195, %lt3A : i32
      %convert_element_type3A = arith.extui %lt3A_196 : i1 to i32
      %cond3A = arith.constant 0 : i32
      %cond3A_197 = arith.cmpi ne, %convert_element_type3A, %cond3A : i32
      scf.if %cond3A_197 {
        %dma_start3A_216 = arith.constant 0 : i32
        %dma_start3A_217 = arith.constant 0 : i32
        %dma_start3A_218 = tpu.memref_slice %arg8[%dma_start3A_216, %dma_start3A_217] : memref<256x128xf32, #tpu.memory_space<vmem>> -> memref<128x128xf32, #tpu.memory_space<vmem>>
        %dma_start3A_219 = arith.constant 0 : i32
        %dma_start3A_220 = tpu.memref_slice %arg6[%add3A_195, %dma_start3A_219] : memref<40x128xi32, #tpu.memory_space<vmem>> -> memref<1x128xi32, #tpu.memory_space<vmem>>
        %dma_start3A_221 = tpu.memref_squeeze %dma_start3A_220 : memref<1x128xi32, #tpu.memory_space<vmem>> -> memref<128xi32, #tpu.memory_space<vmem>>
        %dma_start3A_222 = arith.constant 0 : i32
        %dma_start3A_223 = arith.constant 0 : i32
        %dma_start3A_224 = tpu.memref_slice %arg2[%dma_start3A_222, %dma_start3A_223] : memref<10000x128xf32, #tpu.memory_space<hbm>> -> memref<10000x128xf32, #tpu.memory_space<hbm>>
        tpu.enqueue_indirect_dma source(%dma_start3A_224 : memref<10000x128xf32, #tpu.memory_space<hbm>>) target(%dma_start3A_218 : memref<128x128xf32, #tpu.memory_space<vmem>>) offsets(%dma_start3A_221 : memref<128xi32, #tpu.memory_space<vmem>>) semaphore(%arg10 : memref<!tpu.dma_semaphore, #tpu.memory_space<semaphore_mem>>)
      } else {
      }
      %add3A_198 = arith.constant 1 : i32
      %add3A_199 = arith.addi %mul3A_143, %add3A_198 : i32
      %dma_wait3A_200 = arith.constant 128 : i32
      %dma_wait3A_201 = arith.constant 0 : i32
      %dma_wait3A_202 = tpu.memref_slice %arg8[%dma_wait3A_200, %dma_wait3A_201] : memref<256x128xf32, #tpu.memory_space<vmem>> -> memref<128x128xf32, #tpu.memory_space<vmem>>
      %dma_wait3A_203 = arith.constant 0 : i32
      %dma_wait3A_204 = tpu.memref_slice %arg7[%add3A_199, %dma_wait3A_203] : memref<40x128xi32, #tpu.memory_space<vmem>> -> memref<1x128xi32, #tpu.memory_space<vmem>>
      %dma_wait3A_205 = tpu.memref_squeeze %dma_wait3A_204 : memref<1x128xi32, #tpu.memory_space<vmem>> -> memref<128xi32, #tpu.memory_space<vmem>>
      %dma_wait3A_206 = arith.constant 0 : i32
      %dma_wait3A_207 = arith.constant 0 : i32
      %dma_wait3A_208 = tpu.memref_slice %arg9[%dma_wait3A_206, %dma_wait3A_207] : memref<10240x128xf32, #tpu.memory_space<vmem_shared>> -> memref<10240x128xf32, #tpu.memory_space<vmem_shared>>
      tpu.wait_indirect_dma semaphore(%arg13 : memref<!tpu.dma_semaphore, #tpu.memory_space<semaphore_mem>>) src(%dma_wait3A_202 : memref<128x128xf32, #tpu.memory_space<vmem>>) dst(%dma_wait3A_208 : memref<10240x128xf32, #tpu.memory_space<vmem_shared>>)
      %add3A_209 = arith.constant 2 : i32
      %add3A_210 = arith.addi %add3A_199, %add3A_209 : i32
      %lt3A_211 = arith.constant 40 : i32
      %lt3A_212 = arith.cmpi slt, %add3A_210, %lt3A_211 : i32
      %convert_element_type3A_213 = arith.extui %lt3A_212 : i1 to i32
      %cond3A_214 = arith.constant 0 : i32
      %cond3A_215 = arith.cmpi ne, %convert_element_type3A_213, %cond3A_214 : i32
      scf.if %cond3A_215 {
        %dma_start3A_216 = arith.constant 128 : i32
        %dma_start3A_217 = arith.constant 0 : i32
        %dma_start3A_218 = tpu.memref_slice %arg8[%dma_start3A_216, %dma_start3A_217] : memref<256x128xf32, #tpu.memory_space<vmem>> -> memref<128x128xf32, #tpu.memory_space<vmem>>
        %dma_start3A_219 = arith.constant 0 : i32
        %dma_start3A_220 = tpu.memref_slice %arg6[%add3A_210, %dma_start3A_219] : memref<40x128xi32, #tpu.memory_space<vmem>> -> memref<1x128xi32, #tpu.memory_space<vmem>>
        %dma_start3A_221 = tpu.memref_squeeze %dma_start3A_220 : memref<1x128xi32, #tpu.memory_space<vmem>> -> memref<128xi32, #tpu.memory_space<vmem>>
        %dma_start3A_222 = arith.constant 0 : i32
        %dma_start3A_223 = arith.constant 0 : i32
        %dma_start3A_224 = tpu.memref_slice %arg2[%dma_start3A_222, %dma_start3A_223] : memref<10000x128xf32, #tpu.memory_space<hbm>> -> memref<10000x128xf32, #tpu.memory_space<hbm>>
        tpu.enqueue_indirect_dma source(%dma_start3A_224 : memref<10000x128xf32, #tpu.memory_space<hbm>>) target(%dma_start3A_218 : memref<128x128xf32, #tpu.memory_space<vmem>>) offsets(%dma_start3A_221 : memref<128xi32, #tpu.memory_space<vmem>>) semaphore(%arg11 : memref<!tpu.dma_semaphore, #tpu.memory_space<semaphore_mem>>)
      } else {
      }
    }
    %scan3A_84 = arith.constant 20 : i32
    %barrier3A_85 = arith.constant 0 : index
    tpu.barrier barrier_id(%barrier3A_85)
    %mul3A_86 = arith.constant 640 : i32
    %mul3A_87 = arith.muli %arg1, %mul3A_86 : i32
    %add3A_88 = arith.constant 0 : i32
    %add3A_89 = arith.addi %mul3A_87, %add3A_88 : i32
    "tpu.region"() ({
      %run_scoped3A = tpu.sem_alloc : memref<!tpu.dma_semaphore, #tpu.memory_space<semaphore_mem>>
      %dma_start3A_141 = arith.constant 0 : i32
      %dma_start3A_142 = arith.constant 0 : i32
      %dma_start3A_143 = tpu.memref_slice %arg8[%dma_start3A_141, %dma_start3A_142] : memref<256x128xf32, #tpu.memory_space<vmem>> -> memref<128x128xf32, #tpu.memory_space<vmem>>
      %dma_start3A_144 = arith.constant 0 : i32
      %dma_start3A_145 = tpu.memref_slice %arg9[%add3A_89, %dma_start3A_144] : memref<10240x128xf32, #tpu.memory_space<vmem_shared>> -> memref<128x128xf32, #tpu.memory_space<vmem_shared>>
      %dma_start3A_146 = arith.constant 0 : i32
      %dma_start3A_147 = arith.constant 0 : i32
      %dma_start3A_148 = tpu.memref_slice %arg8[%dma_start3A_146, %dma_start3A_147] : memref<256x128xf32, #tpu.memory_space<vmem>> -> memref<128x128xf32, #tpu.memory_space<vmem>>
      %dma_start3A_149 = arith.constant 0 : i32
      %dma_start3A_150 = tpu.memref_slice %arg9[%add3A_89, %dma_start3A_149] : memref<10240x128xf32, #tpu.memory_space<vmem_shared>> -> memref<128x128xf32, #tpu.memory_space<vmem_shared>>
      tpu.enqueue_dma source(%dma_start3A_150 : memref<128x128xf32, #tpu.memory_space<vmem_shared>>) target(%dma_start3A_148 : memref<128x128xf32, #tpu.memory_space<vmem>>) target_semaphore(%run_scoped3A : memref<!tpu.dma_semaphore, #tpu.memory_space<semaphore_mem>>)
      %dma_wait3A = arith.constant 0 : i32
      %dma_wait3A_151 = arith.constant 0 : i32
      %dma_wait3A_152 = tpu.memref_slice %arg8[%dma_wait3A, %dma_wait3A_151] : memref<256x128xf32, #tpu.memory_space<vmem>> -> memref<128x128xf32, #tpu.memory_space<vmem>>
      %dma_wait3A_153 = arith.constant 0 : i32
      %dma_wait3A_154 = tpu.memref_slice %arg9[%add3A_89, %dma_wait3A_153] : memref<10240x128xf32, #tpu.memory_space<vmem_shared>> -> memref<128x128xf32, #tpu.memory_space<vmem_shared>>
      %dma_wait3A_155 = arith.constant 0 : i32
      %dma_wait3A_156 = arith.constant 0 : i32
      %dma_wait3A_157 = tpu.memref_slice %arg8[%dma_wait3A_155, %dma_wait3A_156] : memref<256x128xf32, #tpu.memory_space<vmem>> -> memref<128x128xf32, #tpu.memory_space<vmem>>
      %dma_wait3A_158 = arith.constant 0 : i32
      %dma_wait3A_159 = tpu.memref_slice %arg9[%add3A_89, %dma_wait3A_158] : memref<10240x128xf32, #tpu.memory_space<vmem_shared>> -> memref<128x128xf32, #tpu.memory_space<vmem_shared>>
      tpu.wait_dma2 semaphore(%run_scoped3A : memref<!tpu.dma_semaphore, #tpu.memory_space<semaphore_mem>>) src(%dma_wait3A_159 : memref<128x128xf32, #tpu.memory_space<vmem_shared>>) dst(%dma_wait3A_157 : memref<128x128xf32, #tpu.memory_space<vmem>>)
      tpu.yield
    }) : () -> ()
    %mul3A_90 = arith.constant 10240 : i32
    %mul3A_91 = arith.muli %arg0, %mul3A_90 : i32
    %mul3A_92 = arith.constant 640 : i32
    %mul3A_93 = arith.muli %arg1, %mul3A_92 : i32
    %add3A_94 = arith.addi %mul3A_91, %mul3A_93 : i32
    %add3A_95 = arith.constant 0 : i32
    %add3A_96 = arith.addi %add3A_94, %add3A_95 : i32
    "tpu.region"() ({
      %run_scoped3A = tpu.sem_alloc : memref<!tpu.dma_semaphore, #tpu.memory_space<semaphore_mem>>
      %dma_start3A_141 = arith.constant 0 : i32
      %dma_start3A_142 = arith.constant 0 : i32
      %dma_start3A_143 = tpu.memref_slice %arg8[%dma_start3A_141, %dma_start3A_142] : memref<256x128xf32, #tpu.memory_space<vmem>> -> memref<128x128xf32, #tpu.memory_space<vmem>>
      %dma_start3A_144 = arith.constant 0 : i32
      %dma_start3A_145 = tpu.memref_slice %arg5[%add3A_96, %dma_start3A_144] : memref<20480x128xf32, #tpu.memory_space<hbm>> -> memref<128x128xf32, #tpu.memory_space<hbm>>
      %dma_start3A_146 = arith.constant 0 : i32
      %dma_start3A_147 = tpu.memref_slice %arg5[%add3A_96, %dma_start3A_146] : memref<20480x128xf32, #tpu.memory_space<hbm>> -> memref<128x128xf32, #tpu.memory_space<hbm>>
      %dma_start3A_148 = arith.constant 0 : i32
      %dma_start3A_149 = arith.constant 0 : i32
      %dma_start3A_150 = tpu.memref_slice %arg8[%dma_start3A_148, %dma_start3A_149] : memref<256x128xf32, #tpu.memory_space<vmem>> -> memref<128x128xf32, #tpu.memory_space<vmem>>
      tpu.enqueue_dma source(%dma_start3A_150 : memref<128x128xf32, #tpu.memory_space<vmem>>) target(%dma_start3A_147 : memref<128x128xf32, #tpu.memory_space<hbm>>) target_semaphore(%run_scoped3A : memref<!tpu.dma_semaphore, #tpu.memory_space<semaphore_mem>>)
      %dma_wait3A = arith.constant 0 : i32
      %dma_wait3A_151 = arith.constant 0 : i32
      %dma_wait3A_152 = tpu.memref_slice %arg8[%dma_wait3A, %dma_wait3A_151] : memref<256x128xf32, #tpu.memory_space<vmem>> -> memref<128x128xf32, #tpu.memory_space<vmem>>
      %dma_wait3A_153 = arith.constant 0 : i32
      %dma_wait3A_154 = tpu.memref_slice %arg5[%add3A_96, %dma_wait3A_153] : memref<20480x128xf32, #tpu.memory_space<hbm>> -> memref<128x128xf32, #tpu.memory_space<hbm>>
      %dma_wait3A_155 = arith.constant 0 : i32
      %dma_wait3A_156 = tpu.memref_slice %arg5[%add3A_96, %dma_wait3A_155] : memref<20480x128xf32, #tpu.memory_space<hbm>> -> memref<128x128xf32, #tpu.memory_space<hbm>>
      %dma_wait3A_157 = arith.constant 0 : i32
      %dma_wait3A_158 = arith.constant 0 : i32
      %dma_wait3A_159 = tpu.memref_slice %arg8[%dma_wait3A_157, %dma_wait3A_158] : memref<256x128xf32, #tpu.memory_space<vmem>> -> memref<128x128xf32, #tpu.memory_space<vmem>>
      tpu.wait_dma2 semaphore(%run_scoped3A : memref<!tpu.dma_semaphore, #tpu.memory_space<semaphore_mem>>) src(%dma_wait3A_159 : memref<128x128xf32, #tpu.memory_space<vmem>>) dst(%dma_wait3A_156 : memref<128x128xf32, #tpu.memory_space<hbm>>)
      tpu.yield
    }) : () -> ()
    %mul3A_97 = arith.constant 640 : i32
    %mul3A_98 = arith.muli %arg1, %mul3A_97 : i32
    %add3A_99 = arith.constant 128 : i32
    %add3A_100 = arith.addi %mul3A_98, %add3A_99 : i32
    "tpu.region"() ({
      %run_scoped3A = tpu.sem_alloc : memref<!tpu.dma_semaphore, #tpu.memory_space<semaphore_mem>>
      %dma_start3A_141 = arith.constant 0 : i32
      %dma_start3A_142 = arith.constant 0 : i32
      %dma_start3A_143 = tpu.memref_slice %arg8[%dma_start3A_141, %dma_start3A_142] : memref<256x128xf32, #tpu.memory_space<vmem>> -> memref<128x128xf32, #tpu.memory_space<vmem>>
      %dma_start3A_144 = arith.constant 0 : i32
      %dma_start3A_145 = tpu.memref_slice %arg9[%add3A_100, %dma_start3A_144] : memref<10240x128xf32, #tpu.memory_space<vmem_shared>> -> memref<128x128xf32, #tpu.memory_space<vmem_shared>>
      %dma_start3A_146 = arith.constant 0 : i32
      %dma_start3A_147 = arith.constant 0 : i32
      %dma_start3A_148 = tpu.memref_slice %arg8[%dma_start3A_146, %dma_start3A_147] : memref<256x128xf32, #tpu.memory_space<vmem>> -> memref<128x128xf32, #tpu.memory_space<vmem>>
      %dma_start3A_149 = arith.constant 0 : i32
      %dma_start3A_150 = tpu.memref_slice %arg9[%add3A_100, %dma_start3A_149] : memref<10240x128xf32, #tpu.memory_space<vmem_shared>> -> memref<128x128xf32, #tpu.memory_space<vmem_shared>>
      tpu.enqueue_dma source(%dma_start3A_150 : memref<128x128xf32, #tpu.memory_space<vmem_shared>>) target(%dma_start3A_148 : memref<128x128xf32, #tpu.memory_space<vmem>>) target_semaphore(%run_scoped3A : memref<!tpu.dma_semaphore, #tpu.memory_space<semaphore_mem>>)
      %dma_wait3A = arith.constant 0 : i32
      %dma_wait3A_151 = arith.constant 0 : i32
      %dma_wait3A_152 = tpu.memref_slice %arg8[%dma_wait3A, %dma_wait3A_151] : memref<256x128xf32, #tpu.memory_space<vmem>> -> memref<128x128xf32, #tpu.memory_space<vmem>>
      %dma_wait3A_153 = arith.constant 0 : i32
      %dma_wait3A_154 = tpu.memref_slice %arg9[%add3A_100, %dma_wait3A_153] : memref<10240x128xf32, #tpu.memory_space<vmem_shared>> -> memref<128x128xf32, #tpu.memory_space<vmem_shared>>
      %dma_wait3A_155 = arith.constant 0 : i32
      %dma_wait3A_156 = arith.constant 0 : i32
      %dma_wait3A_157 = tpu.memref_slice %arg8[%dma_wait3A_155, %dma_wait3A_156] : memref<256x128xf32, #tpu.memory_space<vmem>> -> memref<128x128xf32, #tpu.memory_space<vmem>>
      %dma_wait3A_158 = arith.constant 0 : i32
      %dma_wait3A_159 = tpu.memref_slice %arg9[%add3A_100, %dma_wait3A_158] : memref<10240x128xf32, #tpu.memory_space<vmem_shared>> -> memref<128x128xf32, #tpu.memory_space<vmem_shared>>
      tpu.wait_dma2 semaphore(%run_scoped3A : memref<!tpu.dma_semaphore, #tpu.memory_space<semaphore_mem>>) src(%dma_wait3A_159 : memref<128x128xf32, #tpu.memory_space<vmem_shared>>) dst(%dma_wait3A_157 : memref<128x128xf32, #tpu.memory_space<vmem>>)
      tpu.yield
    }) : () -> ()
    %mul3A_101 = arith.constant 10240 : i32
    %mul3A_102 = arith.muli %arg0, %mul3A_101 : i32
    %mul3A_103 = arith.constant 640 : i32
    %mul3A_104 = arith.muli %arg1, %mul3A_103 : i32
    %add3A_105 = arith.addi %mul3A_102, %mul3A_104 : i32
    %add3A_106 = arith.constant 128 : i32
    %add3A_107 = arith.addi %add3A_105, %add3A_106 : i32
    "tpu.region"() ({
      %run_scoped3A = tpu.sem_alloc : memref<!tpu.dma_semaphore, #tpu.memory_space<semaphore_mem>>
      %dma_start3A_141 = arith.constant 0 : i32
      %dma_start3A_142 = arith.constant 0 : i32
      %dma_start3A_143 = tpu.memref_slice %arg8[%dma_start3A_141, %dma_start3A_142] : memref<256x128xf32, #tpu.memory_space<vmem>> -> memref<128x128xf32, #tpu.memory_space<vmem>>
      %dma_start3A_144 = arith.constant 0 : i32
      %dma_start3A_145 = tpu.memref_slice %arg5[%add3A_107, %dma_start3A_144] : memref<20480x128xf32, #tpu.memory_space<hbm>> -> memref<128x128xf32, #tpu.memory_space<hbm>>
      %dma_start3A_146 = arith.constant 0 : i32
      %dma_start3A_147 = tpu.memref_slice %arg5[%add3A_107, %dma_start3A_146] : memref<20480x128xf32, #tpu.memory_space<hbm>> -> memref<128x128xf32, #tpu.memory_space<hbm>>
      %dma_start3A_148 = arith.constant 0 : i32
      %dma_start3A_149 = arith.constant 0 : i32
      %dma_start3A_150 = tpu.memref_slice %arg8[%dma_start3A_148, %dma_start3A_149] : memref<256x128xf32, #tpu.memory_space<vmem>> -> memref<128x128xf32, #tpu.memory_space<vmem>>
      tpu.enqueue_dma source(%dma_start3A_150 : memref<128x128xf32, #tpu.memory_space<vmem>>) target(%dma_start3A_147 : memref<128x128xf32, #tpu.memory_space<hbm>>) target_semaphore(%run_scoped3A : memref<!tpu.dma_semaphore, #tpu.memory_space<semaphore_mem>>)
      %dma_wait3A = arith.constant 0 : i32
      %dma_wait3A_151 = arith.constant 0 : i32
      %dma_wait3A_152 = tpu.memref_slice %arg8[%dma_wait3A, %dma_wait3A_151] : memref<256x128xf32, #tpu.memory_space<vmem>> -> memref<128x128xf32, #tpu.memory_space<vmem>>
      %dma_wait3A_153 = arith.constant 0 : i32
      %dma_wait3A_154 = tpu.memref_slice %arg5[%add3A_107, %dma_wait3A_153] : memref<20480x128xf32, #tpu.memory_space<hbm>> -> memref<128x128xf32, #tpu.memory_space<hbm>>
      %dma_wait3A_155 = arith.constant 0 : i32
      %dma_wait3A_156 = tpu.memref_slice %arg5[%add3A_107, %dma_wait3A_155] : memref<20480x128xf32, #tpu.memory_space<hbm>> -> memref<128x128xf32, #tpu.memory_space<hbm>>
      %dma_wait3A_157 = arith.constant 0 : i32
      %dma_wait3A_158 = arith.constant 0 : i32
      %dma_wait3A_159 = tpu.memref_slice %arg8[%dma_wait3A_157, %dma_wait3A_158] : memref<256x128xf32, #tpu.memory_space<vmem>> -> memref<128x128xf32, #tpu.memory_space<vmem>>
      tpu.wait_dma2 semaphore(%run_scoped3A : memref<!tpu.dma_semaphore, #tpu.memory_space<semaphore_mem>>) src(%dma_wait3A_159 : memref<128x128xf32, #tpu.memory_space<vmem>>) dst(%dma_wait3A_156 : memref<128x128xf32, #tpu.memory_space<hbm>>)
      tpu.yield
    }) : () -> ()
    %mul3A_108 = arith.constant 640 : i32
    %mul3A_109 = arith.muli %arg1, %mul3A_108 : i32
    %add3A_110 = arith.constant 256 : i32
    %add3A_111 = arith.addi %mul3A_109, %add3A_110 : i32
    "tpu.region"() ({
      %run_scoped3A = tpu.sem_alloc : memref<!tpu.dma_semaphore, #tpu.memory_space<semaphore_mem>>
      %dma_start3A_141 = arith.constant 0 : i32
      %dma_start3A_142 = arith.constant 0 : i32
      %dma_start3A_143 = tpu.memref_slice %arg8[%dma_start3A_141, %dma_start3A_142] : memref<256x128xf32, #tpu.memory_space<vmem>> -> memref<128x128xf32, #tpu.memory_space<vmem>>
      %dma_start3A_144 = arith.constant 0 : i32
      %dma_start3A_145 = tpu.memref_slice %arg9[%add3A_111, %dma_start3A_144] : memref<10240x128xf32, #tpu.memory_space<vmem_shared>> -> memref<128x128xf32, #tpu.memory_space<vmem_shared>>
      %dma_start3A_146 = arith.constant 0 : i32
      %dma_start3A_147 = arith.constant 0 : i32
      %dma_start3A_148 = tpu.memref_slice %arg8[%dma_start3A_146, %dma_start3A_147] : memref<256x128xf32, #tpu.memory_space<vmem>> -> memref<128x128xf32, #tpu.memory_space<vmem>>
      %dma_start3A_149 = arith.constant 0 : i32
      %dma_start3A_150 = tpu.memref_slice %arg9[%add3A_111, %dma_start3A_149] : memref<10240x128xf32, #tpu.memory_space<vmem_shared>> -> memref<128x128xf32, #tpu.memory_space<vmem_shared>>
      tpu.enqueue_dma source(%dma_start3A_150 : memref<128x128xf32, #tpu.memory_space<vmem_shared>>) target(%dma_start3A_148 : memref<128x128xf32, #tpu.memory_space<vmem>>) target_semaphore(%run_scoped3A : memref<!tpu.dma_semaphore, #tpu.memory_space<semaphore_mem>>)
      %dma_wait3A = arith.constant 0 : i32
      %dma_wait3A_151 = arith.constant 0 : i32
      %dma_wait3A_152 = tpu.memref_slice %arg8[%dma_wait3A, %dma_wait3A_151] : memref<256x128xf32, #tpu.memory_space<vmem>> -> memref<128x128xf32, #tpu.memory_space<vmem>>
      %dma_wait3A_153 = arith.constant 0 : i32
      %dma_wait3A_154 = tpu.memref_slice %arg9[%add3A_111, %dma_wait3A_153] : memref<10240x128xf32, #tpu.memory_space<vmem_shared>> -> memref<128x128xf32, #tpu.memory_space<vmem_shared>>
      %dma_wait3A_155 = arith.constant 0 : i32
      %dma_wait3A_156 = arith.constant 0 : i32
      %dma_wait3A_157 = tpu.memref_slice %arg8[%dma_wait3A_155, %dma_wait3A_156] : memref<256x128xf32, #tpu.memory_space<vmem>> -> memref<128x128xf32, #tpu.memory_space<vmem>>
      %dma_wait3A_158 = arith.constant 0 : i32
      %dma_wait3A_159 = tpu.memref_slice %arg9[%add3A_111, %dma_wait3A_158] : memref<10240x128xf32, #tpu.memory_space<vmem_shared>> -> memref<128x128xf32, #tpu.memory_space<vmem_shared>>
      tpu.wait_dma2 semaphore(%run_scoped3A : memref<!tpu.dma_semaphore, #tpu.memory_space<semaphore_mem>>) src(%dma_wait3A_159 : memref<128x128xf32, #tpu.memory_space<vmem_shared>>) dst(%dma_wait3A_157 : memref<128x128xf32, #tpu.memory_space<vmem>>)
      tpu.yield
    }) : () -> ()
    %mul3A_112 = arith.constant 10240 : i32
    %mul3A_113 = arith.muli %arg0, %mul3A_112 : i32
    %mul3A_114 = arith.constant 640 : i32
    %mul3A_115 = arith.muli %arg1, %mul3A_114 : i32
    %add3A_116 = arith.addi %mul3A_113, %mul3A_115 : i32
    %add3A_117 = arith.constant 256 : i32
    %add3A_118 = arith.addi %add3A_116, %add3A_117 : i32
    "tpu.region"() ({
      %run_scoped3A = tpu.sem_alloc : memref<!tpu.dma_semaphore, #tpu.memory_space<semaphore_mem>>
      %dma_start3A_141 = arith.constant 0 : i32
      %dma_start3A_142 = arith.constant 0 : i32
      %dma_start3A_143 = tpu.memref_slice %arg8[%dma_start3A_141, %dma_start3A_142] : memref<256x128xf32, #tpu.memory_space<vmem>> -> memref<128x128xf32, #tpu.memory_space<vmem>>
      %dma_start3A_144 = arith.constant 0 : i32
      %dma_start3A_145 = tpu.memref_slice %arg5[%add3A_118, %dma_start3A_144] : memref<20480x128xf32, #tpu.memory_space<hbm>> -> memref<128x128xf32, #tpu.memory_space<hbm>>
      %dma_start3A_146 = arith.constant 0 : i32
      %dma_start3A_147 = tpu.memref_slice %arg5[%add3A_118, %dma_start3A_146] : memref<20480x128xf32, #tpu.memory_space<hbm>> -> memref<128x128xf32, #tpu.memory_space<hbm>>
      %dma_start3A_148 = arith.constant 0 : i32
      %dma_start3A_149 = arith.constant 0 : i32
      %dma_start3A_150 = tpu.memref_slice %arg8[%dma_start3A_148, %dma_start3A_149] : memref<256x128xf32, #tpu.memory_space<vmem>> -> memref<128x128xf32, #tpu.memory_space<vmem>>
      tpu.enqueue_dma source(%dma_start3A_150 : memref<128x128xf32, #tpu.memory_space<vmem>>) target(%dma_start3A_147 : memref<128x128xf32, #tpu.memory_space<hbm>>) target_semaphore(%run_scoped3A : memref<!tpu.dma_semaphore, #tpu.memory_space<semaphore_mem>>)
      %dma_wait3A = arith.constant 0 : i32
      %dma_wait3A_151 = arith.constant 0 : i32
      %dma_wait3A_152 = tpu.memref_slice %arg8[%dma_wait3A, %dma_wait3A_151] : memref<256x128xf32, #tpu.memory_space<vmem>> -> memref<128x128xf32, #tpu.memory_space<vmem>>
      %dma_wait3A_153 = arith.constant 0 : i32
      %dma_wait3A_154 = tpu.memref_slice %arg5[%add3A_118, %dma_wait3A_153] : memref<20480x128xf32, #tpu.memory_space<hbm>> -> memref<128x128xf32, #tpu.memory_space<hbm>>
      %dma_wait3A_155 = arith.constant 0 : i32
      %dma_wait3A_156 = tpu.memref_slice %arg5[%add3A_118, %dma_wait3A_155] : memref<20480x128xf32, #tpu.memory_space<hbm>> -> memref<128x128xf32, #tpu.memory_space<hbm>>
      %dma_wait3A_157 = arith.constant 0 : i32
      %dma_wait3A_158 = arith.constant 0 : i32
      %dma_wait3A_159 = tpu.memref_slice %arg8[%dma_wait3A_157, %dma_wait3A_158] : memref<256x128xf32, #tpu.memory_space<vmem>> -> memref<128x128xf32, #tpu.memory_space<vmem>>
      tpu.wait_dma2 semaphore(%run_scoped3A : memref<!tpu.dma_semaphore, #tpu.memory_space<semaphore_mem>>) src(%dma_wait3A_159 : memref<128x128xf32, #tpu.memory_space<vmem>>) dst(%dma_wait3A_156 : memref<128x128xf32, #tpu.memory_space<hbm>>)
      tpu.yield
    }) : () -> ()
    %mul3A_119 = arith.constant 640 : i32
    %mul3A_120 = arith.muli %arg1, %mul3A_119 : i32
    %add3A_121 = arith.constant 384 : i32
    %add3A_122 = arith.addi %mul3A_120, %add3A_121 : i32
    "tpu.region"() ({
      %run_scoped3A = tpu.sem_alloc : memref<!tpu.dma_semaphore, #tpu.memory_space<semaphore_mem>>
      %dma_start3A_141 = arith.constant 0 : i32
      %dma_start3A_142 = arith.constant 0 : i32
      %dma_start3A_143 = tpu.memref_slice %arg8[%dma_start3A_141, %dma_start3A_142] : memref<256x128xf32, #tpu.memory_space<vmem>> -> memref<128x128xf32, #tpu.memory_space<vmem>>
      %dma_start3A_144 = arith.constant 0 : i32
      %dma_start3A_145 = tpu.memref_slice %arg9[%add3A_122, %dma_start3A_144] : memref<10240x128xf32, #tpu.memory_space<vmem_shared>> -> memref<128x128xf32, #tpu.memory_space<vmem_shared>>
      %dma_start3A_146 = arith.constant 0 : i32
      %dma_start3A_147 = arith.constant 0 : i32
      %dma_start3A_148 = tpu.memref_slice %arg8[%dma_start3A_146, %dma_start3A_147] : memref<256x128xf32, #tpu.memory_space<vmem>> -> memref<128x128xf32, #tpu.memory_space<vmem>>
      %dma_start3A_149 = arith.constant 0 : i32
      %dma_start3A_150 = tpu.memref_slice %arg9[%add3A_122, %dma_start3A_149] : memref<10240x128xf32, #tpu.memory_space<vmem_shared>> -> memref<128x128xf32, #tpu.memory_space<vmem_shared>>
      tpu.enqueue_dma source(%dma_start3A_150 : memref<128x128xf32, #tpu.memory_space<vmem_shared>>) target(%dma_start3A_148 : memref<128x128xf32, #tpu.memory_space<vmem>>) target_semaphore(%run_scoped3A : memref<!tpu.dma_semaphore, #tpu.memory_space<semaphore_mem>>)
      %dma_wait3A = arith.constant 0 : i32
      %dma_wait3A_151 = arith.constant 0 : i32
      %dma_wait3A_152 = tpu.memref_slice %arg8[%dma_wait3A, %dma_wait3A_151] : memref<256x128xf32, #tpu.memory_space<vmem>> -> memref<128x128xf32, #tpu.memory_space<vmem>>
      %dma_wait3A_153 = arith.constant 0 : i32
      %dma_wait3A_154 = tpu.memref_slice %arg9[%add3A_122, %dma_wait3A_153] : memref<10240x128xf32, #tpu.memory_space<vmem_shared>> -> memref<128x128xf32, #tpu.memory_space<vmem_shared>>
      %dma_wait3A_155 = arith.constant 0 : i32
      %dma_wait3A_156 = arith.constant 0 : i32
      %dma_wait3A_157 = tpu.memref_slice %arg8[%dma_wait3A_155, %dma_wait3A_156] : memref<256x128xf32, #tpu.memory_space<vmem>> -> memref<128x128xf32, #tpu.memory_space<vmem>>
      %dma_wait3A_158 = arith.constant 0 : i32
      %dma_wait3A_159 = tpu.memref_slice %arg9[%add3A_122, %dma_wait3A_158] : memref<10240x128xf32, #tpu.memory_space<vmem_shared>> -> memref<128x128xf32, #tpu.memory_space<vmem_shared>>
      tpu.wait_dma2 semaphore(%run_scoped3A : memref<!tpu.dma_semaphore, #tpu.memory_space<semaphore_mem>>) src(%dma_wait3A_159 : memref<128x128xf32, #tpu.memory_space<vmem_shared>>) dst(%dma_wait3A_157 : memref<128x128xf32, #tpu.memory_space<vmem>>)
      tpu.yield
    }) : () -> ()
    %mul3A_123 = arith.constant 10240 : i32
    %mul3A_124 = arith.muli %arg0, %mul3A_123 : i32
    %mul3A_125 = arith.constant 640 : i32
    %mul3A_126 = arith.muli %arg1, %mul3A_125 : i32
    %add3A_127 = arith.addi %mul3A_124, %mul3A_126 : i32
    %add3A_128 = arith.constant 384 : i32
    %add3A_129 = arith.addi %add3A_127, %add3A_128 : i32
    "tpu.region"() ({
      %run_scoped3A = tpu.sem_alloc : memref<!tpu.dma_semaphore, #tpu.memory_space<semaphore_mem>>
      %dma_start3A_141 = arith.constant 0 : i32
      %dma_start3A_142 = arith.constant 0 : i32
      %dma_start3A_143 = tpu.memref_slice %arg8[%dma_start3A_141, %dma_start3A_142] : memref<256x128xf32, #tpu.memory_space<vmem>> -> memref<128x128xf32, #tpu.memory_space<vmem>>
      %dma_start3A_144 = arith.constant 0 : i32
      %dma_start3A_145 = tpu.memref_slice %arg5[%add3A_129, %dma_start3A_144] : memref<20480x128xf32, #tpu.memory_space<hbm>> -> memref<128x128xf32, #tpu.memory_space<hbm>>
      %dma_start3A_146 = arith.constant 0 : i32
      %dma_start3A_147 = tpu.memref_slice %arg5[%add3A_129, %dma_start3A_146] : memref<20480x128xf32, #tpu.memory_space<hbm>> -> memref<128x128xf32, #tpu.memory_space<hbm>>
      %dma_start3A_148 = arith.constant 0 : i32
      %dma_start3A_149 = arith.constant 0 : i32
      %dma_start3A_150 = tpu.memref_slice %arg8[%dma_start3A_148, %dma_start3A_149] : memref<256x128xf32, #tpu.memory_space<vmem>> -> memref<128x128xf32, #tpu.memory_space<vmem>>
      tpu.enqueue_dma source(%dma_start3A_150 : memref<128x128xf32, #tpu.memory_space<vmem>>) target(%dma_start3A_147 : memref<128x128xf32, #tpu.memory_space<hbm>>) target_semaphore(%run_scoped3A : memref<!tpu.dma_semaphore, #tpu.memory_space<semaphore_mem>>)
      %dma_wait3A = arith.constant 0 : i32
      %dma_wait3A_151 = arith.constant 0 : i32
      %dma_wait3A_152 = tpu.memref_slice %arg8[%dma_wait3A, %dma_wait3A_151] : memref<256x128xf32, #tpu.memory_space<vmem>> -> memref<128x128xf32, #tpu.memory_space<vmem>>
      %dma_wait3A_153 = arith.constant 0 : i32
      %dma_wait3A_154 = tpu.memref_slice %arg5[%add3A_129, %dma_wait3A_153] : memref<20480x128xf32, #tpu.memory_space<hbm>> -> memref<128x128xf32, #tpu.memory_space<hbm>>
      %dma_wait3A_155 = arith.constant 0 : i32
      %dma_wait3A_156 = tpu.memref_slice %arg5[%add3A_129, %dma_wait3A_155] : memref<20480x128xf32, #tpu.memory_space<hbm>> -> memref<128x128xf32, #tpu.memory_space<hbm>>
      %dma_wait3A_157 = arith.constant 0 : i32
      %dma_wait3A_158 = arith.constant 0 : i32
      %dma_wait3A_159 = tpu.memref_slice %arg8[%dma_wait3A_157, %dma_wait3A_158] : memref<256x128xf32, #tpu.memory_space<vmem>> -> memref<128x128xf32, #tpu.memory_space<vmem>>
      tpu.wait_dma2 semaphore(%run_scoped3A : memref<!tpu.dma_semaphore, #tpu.memory_space<semaphore_mem>>) src(%dma_wait3A_159 : memref<128x128xf32, #tpu.memory_space<vmem>>) dst(%dma_wait3A_156 : memref<128x128xf32, #tpu.memory_space<hbm>>)
      tpu.yield
    }) : () -> ()
    %mul3A_130 = arith.constant 640 : i32
    %mul3A_131 = arith.muli %arg1, %mul3A_130 : i32
    %add3A_132 = arith.constant 512 : i32
    %add3A_133 = arith.addi %mul3A_131, %add3A_132 : i32
    "tpu.region"() ({
      %run_scoped3A = tpu.sem_alloc : memref<!tpu.dma_semaphore, #tpu.memory_space<semaphore_mem>>
      %dma_start3A_141 = arith.constant 0 : i32
      %dma_start3A_142 = arith.constant 0 : i32
      %dma_start3A_143 = tpu.memref_slice %arg8[%dma_start3A_141, %dma_start3A_142] : memref<256x128xf32, #tpu.memory_space<vmem>> -> memref<128x128xf32, #tpu.memory_space<vmem>>
      %dma_start3A_144 = arith.constant 0 : i32
      %dma_start3A_145 = tpu.memref_slice %arg9[%add3A_133, %dma_start3A_144] : memref<10240x128xf32, #tpu.memory_space<vmem_shared>> -> memref<128x128xf32, #tpu.memory_space<vmem_shared>>
      %dma_start3A_146 = arith.constant 0 : i32
      %dma_start3A_147 = arith.constant 0 : i32
      %dma_start3A_148 = tpu.memref_slice %arg8[%dma_start3A_146, %dma_start3A_147] : memref<256x128xf32, #tpu.memory_space<vmem>> -> memref<128x128xf32, #tpu.memory_space<vmem>>
      %dma_start3A_149 = arith.constant 0 : i32
      %dma_start3A_150 = tpu.memref_slice %arg9[%add3A_133, %dma_start3A_149] : memref<10240x128xf32, #tpu.memory_space<vmem_shared>> -> memref<128x128xf32, #tpu.memory_space<vmem_shared>>
      tpu.enqueue_dma source(%dma_start3A_150 : memref<128x128xf32, #tpu.memory_space<vmem_shared>>) target(%dma_start3A_148 : memref<128x128xf32, #tpu.memory_space<vmem>>) target_semaphore(%run_scoped3A : memref<!tpu.dma_semaphore, #tpu.memory_space<semaphore_mem>>)
      %dma_wait3A = arith.constant 0 : i32
      %dma_wait3A_151 = arith.constant 0 : i32
      %dma_wait3A_152 = tpu.memref_slice %arg8[%dma_wait3A, %dma_wait3A_151] : memref<256x128xf32, #tpu.memory_space<vmem>> -> memref<128x128xf32, #tpu.memory_space<vmem>>
      %dma_wait3A_153 = arith.constant 0 : i32
      %dma_wait3A_154 = tpu.memref_slice %arg9[%add3A_133, %dma_wait3A_153] : memref<10240x128xf32, #tpu.memory_space<vmem_shared>> -> memref<128x128xf32, #tpu.memory_space<vmem_shared>>
      %dma_wait3A_155 = arith.constant 0 : i32
      %dma_wait3A_156 = arith.constant 0 : i32
      %dma_wait3A_157 = tpu.memref_slice %arg8[%dma_wait3A_155, %dma_wait3A_156] : memref<256x128xf32, #tpu.memory_space<vmem>> -> memref<128x128xf32, #tpu.memory_space<vmem>>
      %dma_wait3A_158 = arith.constant 0 : i32
      %dma_wait3A_159 = tpu.memref_slice %arg9[%add3A_133, %dma_wait3A_158] : memref<10240x128xf32, #tpu.memory_space<vmem_shared>> -> memref<128x128xf32, #tpu.memory_space<vmem_shared>>
      tpu.wait_dma2 semaphore(%run_scoped3A : memref<!tpu.dma_semaphore, #tpu.memory_space<semaphore_mem>>) src(%dma_wait3A_159 : memref<128x128xf32, #tpu.memory_space<vmem_shared>>) dst(%dma_wait3A_157 : memref<128x128xf32, #tpu.memory_space<vmem>>)
      tpu.yield
    }) : () -> ()
    %mul3A_134 = arith.constant 10240 : i32
    %mul3A_135 = arith.muli %arg0, %mul3A_134 : i32
    %mul3A_136 = arith.constant 640 : i32
    %mul3A_137 = arith.muli %arg1, %mul3A_136 : i32
    %add3A_138 = arith.addi %mul3A_135, %mul3A_137 : i32
    %add3A_139 = arith.constant 512 : i32
    %add3A_140 = arith.addi %add3A_138, %add3A_139 : i32
    "tpu.region"() ({
      %run_scoped3A = tpu.sem_alloc : memref<!tpu.dma_semaphore, #tpu.memory_space<semaphore_mem>>
      %dma_start3A_141 = arith.constant 0 : i32
      %dma_start3A_142 = arith.constant 0 : i32
      %dma_start3A_143 = tpu.memref_slice %arg8[%dma_start3A_141, %dma_start3A_142] : memref<256x128xf32, #tpu.memory_space<vmem>> -> memref<128x128xf32, #tpu.memory_space<vmem>>
      %dma_start3A_144 = arith.constant 0 : i32
      %dma_start3A_145 = tpu.memref_slice %arg5[%add3A_140, %dma_start3A_144] : memref<20480x128xf32, #tpu.memory_space<hbm>> -> memref<128x128xf32, #tpu.memory_space<hbm>>
      %dma_start3A_146 = arith.constant 0 : i32
      %dma_start3A_147 = tpu.memref_slice %arg5[%add3A_140, %dma_start3A_146] : memref<20480x128xf32, #tpu.memory_space<hbm>> -> memref<128x128xf32, #tpu.memory_space<hbm>>
      %dma_start3A_148 = arith.constant 0 : i32
      %dma_start3A_149 = arith.constant 0 : i32
      %dma_start3A_150 = tpu.memref_slice %arg8[%dma_start3A_148, %dma_start3A_149] : memref<256x128xf32, #tpu.memory_space<vmem>> -> memref<128x128xf32, #tpu.memory_space<vmem>>
      tpu.enqueue_dma source(%dma_start3A_150 : memref<128x128xf32, #tpu.memory_space<vmem>>) target(%dma_start3A_147 : memref<128x128xf32, #tpu.memory_space<hbm>>) target_semaphore(%run_scoped3A : memref<!tpu.dma_semaphore, #tpu.memory_space<semaphore_mem>>)
      %dma_wait3A = arith.constant 0 : i32
      %dma_wait3A_151 = arith.constant 0 : i32
      %dma_wait3A_152 = tpu.memref_slice %arg8[%dma_wait3A, %dma_wait3A_151] : memref<256x128xf32, #tpu.memory_space<vmem>> -> memref<128x128xf32, #tpu.memory_space<vmem>>
      %dma_wait3A_153 = arith.constant 0 : i32
      %dma_wait3A_154 = tpu.memref_slice %arg5[%add3A_140, %dma_wait3A_153] : memref<20480x128xf32, #tpu.memory_space<hbm>> -> memref<128x128xf32, #tpu.memory_space<hbm>>
      %dma_wait3A_155 = arith.constant 0 : i32
      %dma_wait3A_156 = tpu.memref_slice %arg5[%add3A_140, %dma_wait3A_155] : memref<20480x128xf32, #tpu.memory_space<hbm>> -> memref<128x128xf32, #tpu.memory_space<hbm>>
      %dma_wait3A_157 = arith.constant 0 : i32
      %dma_wait3A_158 = arith.constant 0 : i32
      %dma_wait3A_159 = tpu.memref_slice %arg8[%dma_wait3A_157, %dma_wait3A_158] : memref<256x128xf32, #tpu.memory_space<vmem>> -> memref<128x128xf32, #tpu.memory_space<vmem>>
      tpu.wait_dma2 semaphore(%run_scoped3A : memref<!tpu.dma_semaphore, #tpu.memory_space<semaphore_mem>>) src(%dma_wait3A_159 : memref<128x128xf32, #tpu.memory_space<vmem>>) dst(%dma_wait3A_156 : memref<128x128xf32, #tpu.memory_space<hbm>>)
      tpu.yield
    }) : () -> ()
    return
  }
}

module attributes {stable_mosaic.version = 14 : i64} {
  func.func @body(%arg0: memref<10000x128xf32, #tpu.memory_space<vmem>>, %arg1: memref<128x128xf32, #tpu.memory_space<vmem>>, %arg2: memref<10000x128xf32, #tpu.memory_space<vmem>>) attributes {dimension_semantics = [], scalar_prefetch = 0 : i64, scratch_operands = 0 : i64, tpu.core_type = #tpu.core_type<tc>} {
    %get3A = arith.constant 0 : index
    %get3A_0 = arith.constant 0 : index
    %get3A_1 = vector.load %arg0[%get3A, %get3A_0] : memref<10000x128xf32, #tpu.memory_space<vmem>>, vector<10000x128xf32>
    %get3A_2 = arith.constant 0 : index
    %get3A_3 = arith.constant 0 : index
    %get3A_4 = vector.load %arg1[%get3A_2, %get3A_3] : memref<128x128xf32, #tpu.memory_space<vmem>>, vector<128x128xf32>
    %dot_general3A = arith.constant dense<0.000000e+00> : vector<10000x128xf32>
    %dot_general3A_5 = tpu.matmul %get3A_1, %get3A_4, %dot_general3A {dimension_numbers = #tpu.dot_dimension_numbers<[1], [0], [0], [1], [0, 0, 1, 1], [], []>, transpose_lhs_hint = false} : vector<10000x128xf32>, vector<128x128xf32>, vector<10000x128xf32> -> vector<10000x128xf32>
    %swap3A = arith.constant 0 : index
    %swap3A_6 = arith.constant 0 : index
    %swap3A_7 = vector.load %arg2[%swap3A, %swap3A_6] : memref<10000x128xf32, #tpu.memory_space<vmem>>, vector<10000x128xf32>
    tpu.vector_store %arg2[%swap3A, %swap3A_6], %dot_general3A_5 {strides = array<i32>} : memref<10000x128xf32, #tpu.memory_space<vmem>>, vector<10000x128xf32>,
    return
  }
}

module attributes {stable_mosaic.version = 14 : i64} {
  func.func @body(%arg0: memref<2x320000xi32, #tpu.memory_space<vmem>>, %arg1: memref<60x128xi32, #tpu.memory_space<vmem>>, %arg2: memref<60x128xi32, #tpu.memory_space<vmem>>, %arg3: memref<2560x128xi32, #tpu.memory_space<vmem>>, %arg4: memref<2560x128xi32, #tpu.memory_space<vmem>>) attributes {dimension_semantics = [], scalar_prefetch = 0 : i64, scratch_operands = 0 : i64, tpu.core_type = #tpu.core_type<tc>} {
    %get3A = arith.constant 0 : index
    %get3A_0 = arith.constant 0 : index
    %get3A_1 = vector.load %arg0[%get3A, %get3A_0] : memref<2x320000xi32, #tpu.memory_space<vmem>>, vector<1x320000xi32>
    %reshape3A = vector.shape_cast %get3A_1 : vector<1x320000xi32> to vector<2500x128xi32>
    %get3A_2 = arith.constant 1 : index
    %get3A_3 = arith.constant 0 : index
    %get3A_4 = vector.load %arg0[%get3A_2, %get3A_3] : memref<2x320000xi32, #tpu.memory_space<vmem>>, vector<1x320000xi32>
    %reshape3A_5 = vector.shape_cast %get3A_4 : vector<1x320000xi32> to vector<2500x128xi32>
    %get3A_6 = arith.constant 0 : index
    %get3A_7 = arith.constant 0 : index
    %get3A_8 = vector.load %arg1[%get3A_6, %get3A_7] : memref<60x128xi32, #tpu.memory_space<vmem>>, vector<60x128xi32>
    %concatenate3A = tpu.concatenate %reshape3A, %get3A_8 in 0 : vector<2500x128xi32>, vector<60x128xi32> -> vector<2560x128xi32>
    %swap3A = arith.constant 0 : index
    %swap3A_9 = arith.constant 0 : index
    %swap3A_10 = vector.load %arg3[%swap3A, %swap3A_9] : memref<2560x128xi32, #tpu.memory_space<vmem>>, vector<2560x128xi32>
    tpu.vector_store %arg3[%swap3A, %swap3A_9], %concatenate3A {strides = array<i32>} : memref<2560x128xi32, #tpu.memory_space<vmem>>, vector<2560x128xi32>,
    %get3A_11 = arith.constant 0 : index
    %get3A_12 = arith.constant 0 : index
    %get3A_13 = vector.load %arg2[%get3A_11, %get3A_12] : memref<60x128xi32, #tpu.memory_space<vmem>>, vector<60x128xi32>
    %concatenate3A_14 = tpu.concatenate %reshape3A_5, %get3A_13 in 0 : vector<2500x128xi32>, vector<60x128xi32> -> vector<2560x128xi32>
    %swap3A_15 = arith.constant 0 : index
    %swap3A_16 = arith.constant 0 : index
    %swap3A_17 = vector.load %arg4[%swap3A_15, %swap3A_16] : memref<2560x128xi32, #tpu.memory_space<vmem>>, vector<2560x128xi32>
    tpu.vector_store %arg4[%swap3A_15, %swap3A_16], %concatenate3A_14 {strides = array<i32>} : memref<2560x128xi32, #tpu.memory_space<vmem>>, vector<2560x128xi32>,
    return
  }
}

module attributes {stable_mosaic.version = 14 : i64} {
  func.func @body(%arg0: i32, %arg1: memref<2048x128xf32, #tpu.memory_space<vmem>>, %arg2: memref<2x2048xf32, #tpu.memory_space<vmem>>, %arg3: memref<2048x128xf32, #tpu.memory_space<vmem>>, %arg4: memref<2048x1xf32, #tpu.memory_space<vmem>>) attributes {dimension_semantics = [#tpu.dimension_semantics<arbitrary>], iteration_bounds = array<i64: 5>, scalar_prefetch = 0 : i64, scratch_operands = 0 : i64, tpu.core_type = #tpu.core_type<tc>, window_params = [{transform_indices = @transform_0, window_bounds = array<i64: 2048, 128>}, {transform_indices = @transform_1, window_bounds = array<i64: 2, 2048>}, {transform_indices = @transform_2, window_bounds = array<i64: 2048, 128>}, {transform_indices = @transform_3, window_bounds = array<i64: 2048, 1>}]} {
    %get3A = arith.constant 0 : index
    %get3A_0 = arith.constant 0 : index
    %get3A_1 = vector.load %arg2[%get3A, %get3A_0] : memref<2x2048xf32, #tpu.memory_space<vmem>>, vector<1x2048xf32>
    %get3A_2 = arith.constant 1 : index
    %get3A_3 = arith.constant 0 : index
    %get3A_4 = vector.load %arg2[%get3A_2, %get3A_3] : memref<2x2048xf32, #tpu.memory_space<vmem>>, vector<1x2048xf32>
    %add3A = arith.addf %get3A_1, %get3A_4 : vector<1x2048xf32>
    %add3A_5 = arith.constant 1.000000e+00 : f32
    %add3A_6 = vector.broadcast %add3A_5 : f32 to vector<1x2048xf32>
    %add3A_7 = arith.addf %add3A, %add3A_6 : vector<1x2048xf32>
    %rsqrt3A = math.rsqrt %add3A_7 : vector<1x2048xf32>
    %reshape3A = vector.shape_cast %rsqrt3A : vector<1x2048xf32> to vector<2048x1xf32>
    %get3A_8 = arith.constant 0 : index
    %get3A_9 = arith.constant 0 : index
    %get3A_10 = vector.load %arg1[%get3A_8, %get3A_9] : memref<2048x128xf32, #tpu.memory_space<vmem>>, vector<2048x128xf32>
    %mul3A = vector.broadcast %reshape3A : vector<2048x1xf32> to vector<2048x128xf32>
    %mul3A_11 = arith.mulf %get3A_10, %mul3A : vector<2048x128xf32>
    %swap3A = arith.constant 0 : index
    %swap3A_12 = arith.constant 0 : index
    %swap3A_13 = vector.load %arg3[%swap3A, %swap3A_12] : memref<2048x128xf32, #tpu.memory_space<vmem>>, vector<2048x128xf32>
    tpu.vector_store %arg3[%swap3A, %swap3A_12], %mul3A_11 {strides = array<i32>} : memref<2048x128xf32, #tpu.memory_space<vmem>>, vector<2048x128xf32>,
    %swap3A_14 = arith.constant 0 : index
    %swap3A_15 = arith.constant 0 : index
    %swap3A_16 = vector.load %arg4[%swap3A_14, %swap3A_15] : memref<2048x1xf32, #tpu.memory_space<vmem>>, vector<2048x1xf32>
    tpu.vector_store %arg4[%swap3A_14, %swap3A_15], %reshape3A {strides = array<i32>} : memref<2048x1xf32, #tpu.memory_space<vmem>>, vector<2048x1xf32>,
    return
  }
  func.func @transform_0(%arg0: i32) -> (i32, i32) {
    %c0_i32 = arith.constant 0 : i32
    %c0_i32_0 = arith.constant 0 : i32
    return %arg0, %c0_i32 : i32, i32
  }
  func.func @transform_1(%arg0: i32) -> (i32, i32) {
    %c0_i32 = arith.constant 0 : i32
    %c0_i32_0 = arith.constant 0 : i32
    return %c0_i32, %arg0 : i32, i32
  }
  func.func @transform_2(%arg0: i32) -> (i32, i32) {
    %c0_i32 = arith.constant 0 : i32
    %c0_i32_0 = arith.constant 0 : i32
    return %arg0, %c0_i32 : i32, i32
  }
  func.func @transform_3(%arg0: i32) -> (i32, i32) {
    %c0_i32 = arith.constant 0 : i32
    %c0_i32_0 = arith.constant 0 : i32
    return %arg0, %c0_i32 : i32, i32
  }
}

module attributes {stable_mosaic.version = 14 : i64} {
  func.func @body(%arg0: i32, %arg1: memref<1x2048x128xf32, #tpu.memory_space<vmem>>, %arg2: memref<1x2048x128xf32, #tpu.memory_space<vmem>>, %arg3: memref<2048x128xf32, #tpu.memory_space<vmem>>, %arg4: memref<2048x1xf32, #tpu.memory_space<vmem>>, %arg5: memref<2048x128xf32, #tpu.memory_space<vmem>>, %arg6: memref<1x128xf32, #tpu.memory_space<vmem>>, %arg7: memref<1x128xf32, #tpu.memory_space<vmem>>, %arg8: memref<1x128xf32, #tpu.memory_space<vmem>>, %arg9: memref<2048x128xf32, #tpu.memory_space<vmem>>, %arg10: memref<10240x128xf32, #tpu.memory_space<vmem>>, %arg11: memref<1x128xf32, #tpu.memory_space<vmem>>, %arg12: memref<1x128xf32, #tpu.memory_space<vmem>>) attributes {dimension_semantics = [#tpu.dimension_semantics<arbitrary>], iteration_bounds = array<i64: 10>, scalar_prefetch = 0 : i64, scratch_operands = 3 : i64, tpu.core_type = #tpu.core_type<tc>, window_params = [{transform_indices = @transform_0, window_bounds = array<i64: 1, 2048, 128>}, {transform_indices = @transform_1, window_bounds = array<i64: 1, 2048, 128>}, {transform_indices = @transform_2, window_bounds = array<i64: 2048, 128>}, {transform_indices = @transform_3, window_bounds = array<i64: 2048, 1>}, {transform_indices = @transform_4, window_bounds = array<i64: 2048, 128>}, {pipeline_mode = #tpu.pipeline_mode<synchronous>, transform_indices = @transform_5, window_bounds = array<i64: 1, 128>}, {pipeline_mode = #tpu.pipeline_mode<synchronous>, transform_indices = @transform_6, window_bounds = array<i64: 1, 128>}, {pipeline_mode = #tpu.pipeline_mode<synchronous>, transform_indices = @transform_7, window_bounds = array<i64: 1, 128>}, {transform_indices = @transform_8, window_bounds = array<i64: 2048, 128>}]} {
    %lt3A = arith.constant 5 : i32
    %lt3A_0 = arith.cmpi slt, %arg0, %lt3A : i32
    %sub3A = arith.constant 5 : i32
    %sub3A_1 = arith.subi %arg0, %sub3A : i32
    %select_n3A = arith.select %lt3A_0, %arg0, %sub3A_1 : i32
    %mul3A = arith.constant 2048 : i32
    %mul3A_2 = arith.muli %select_n3A, %mul3A : i32
    %lt3A_3 = arith.constant 5 : i32
    %lt3A_4 = arith.cmpi slt, %arg0, %lt3A_3 : i32
    %convert_element_type3A = arith.extui %lt3A_4 : i1 to i32
    %cond3A = arith.constant 0 : i32
    %cond3A_5 = arith.cmpi ne, %convert_element_type3A, %cond3A : i32
    scf.if %cond3A_5 {
      %get3A = arith.constant 0 : index
      %get3A_10 = arith.constant 0 : index
      %get3A_11 = arith.constant 0 : index
      %get3A_12 = vector.load %arg1[%get3A, %get3A_10, %get3A_11] : memref<1x2048x128xf32, #tpu.memory_space<vmem>>, vector<1x2048x128xf32>
      %get3A_13 = vector.shape_cast %get3A_12 : vector<1x2048x128xf32> to vector<2048x128xf32>
      %get3A_14 = arith.constant 0 : index
      %get3A_15 = arith.constant 0 : index
      %get3A_16 = arith.constant 0 : index
      %get3A_17 = vector.load %arg2[%get3A_14, %get3A_15, %get3A_16] : memref<1x2048x128xf32, #tpu.memory_space<vmem>>, vector<1x2048x128xf32>
      %get3A_18 = vector.shape_cast %get3A_17 : vector<1x2048x128xf32> to vector<2048x128xf32>
      %add3A = arith.addf %get3A_13, %get3A_18 : vector<2048x128xf32>
      %get3A_19 = arith.constant 0 : index
      %get3A_20 = arith.constant 0 : index
      %get3A_21 = vector.load %arg3[%get3A_19, %get3A_20] : memref<2048x128xf32, #tpu.memory_space<vmem>>, vector<2048x128xf32>
      %add3A_22 = arith.addf %add3A, %get3A_21 : vector<2048x128xf32>
      %get3A_23 = arith.constant 0 : index
      %get3A_24 = arith.constant 0 : index
      %get3A_25 = vector.load %arg4[%get3A_23, %get3A_24] : memref<2048x1xf32, #tpu.memory_space<vmem>>, vector<2048x1xf32>
      %mul3A_26 = vector.broadcast %get3A_25 : vector<2048x1xf32> to vector<2048x128xf32>
      %mul3A_27 = arith.mulf %add3A_22, %mul3A_26 : vector<2048x128xf32>
      %get3A_28 = arith.constant 0 : index
      %get3A_29 = arith.constant 0 : index
      %get3A_30 = vector.load %arg6[%get3A_28, %get3A_29] : memref<1x128xf32, #tpu.memory_space<vmem>>, vector<1x128xf32>
      %add3A_31 = vector.broadcast %get3A_30 : vector<1x128xf32> to vector<2048x128xf32>
      %add3A_32 = arith.addf %mul3A_27, %add3A_31 : vector<2048x128xf32>
      %swap3A = arith.index_cast %mul3A_2 : i32 to index
      %swap3A_33 = arith.constant 0 : index
      %swap3A_34 = vector.load %arg10[%swap3A, %swap3A_33] : memref<10240x128xf32, #tpu.memory_space<vmem>>, vector<2048x128xf32>
      tpu.vector_store %arg10[%swap3A, %swap3A_33], %add3A_32 {strides = array<i32>} : memref<10240x128xf32, #tpu.memory_space<vmem>>, vector<2048x128xf32>,
      %iota3A = tpu.iota {dimensions = array<i32: 0>} : vector<2048x128xi32>
      %add3A_35 = vector.broadcast %mul3A_2 : i32 to vector<2048x128xi32>
      %add3A_36 = arith.addi %add3A_35, %iota3A : vector<2048x128xi32>
      %lt3A_37 = arith.constant 10000 : i32
      %lt3A_38 = vector.broadcast %lt3A_37 : i32 to vector<2048x128xi32>
      %lt3A_39 = arith.cmpi slt, %add3A_36, %lt3A_38 : vector<2048x128xi32>
      %jit3A = arith.constant 0.000000e+00 : f32
      %broadcast_in_dim3A = vector.broadcast %jit3A : f32 to vector<2048x128xf32>
      %select_n3A_40 = arith.select %lt3A_39, %add3A_32, %broadcast_in_dim3A : vector<2048x128xi1>, vector<2048x128xf32>
      %mul3A_41 = arith.mulf %add3A_32, %add3A_32 : vector<2048x128xf32>
      %jit3A_42 = arith.constant 0.000000e+00 : f32
      %broadcast_in_dim3A_43 = vector.broadcast %jit3A_42 : f32 to vector<2048x128xf32>
      %select_n3A_44 = arith.select %lt3A_39, %mul3A_41, %broadcast_in_dim3A_43 : vector<2048x128xi1>, vector<2048x128xf32>
      %reduce_sum3A = arith.constant dense<0.000000e+00> : vector<128xf32>
      %reduce_sum3A_45 = vector.multi_reduction <add>, %select_n3A_40, %reduce_sum3A [0] : vector<2048x128xf32> to vector<128xf32>
      %broadcast_in_dim3A_46 = vector.shape_cast %reduce_sum3A_45 : vector<128xf32> to vector<1x128xf32>
      %reduce_sum3A_47 = arith.constant dense<0.000000e+00> : vector<128xf32>
      %reduce_sum3A_48 = vector.multi_reduction <add>, %select_n3A_44, %reduce_sum3A_47 [0] : vector<2048x128xf32> to vector<128xf32>
      %broadcast_in_dim3A_49 = vector.shape_cast %reduce_sum3A_48 : vector<128xf32> to vector<1x128xf32>
      %eq3A = arith.constant 0 : i32
      %eq3A_50 = arith.cmpi eq, %arg0, %eq3A : i32
      %convert_element_type3A_51 = arith.extui %eq3A_50 : i1 to i32
      %cond3A_52 = arith.constant 0 : i32
      %cond3A_53 = arith.cmpi ne, %convert_element_type3A_51, %cond3A_52 : i32
      scf.if %cond3A_53 {
        %swap3A_58 = arith.constant 0 : index
        %swap3A_59 = arith.constant 0 : index
        %swap3A_60 = vector.load %arg11[%swap3A_58, %swap3A_59] : memref<1x128xf32, #tpu.memory_space<vmem>>, vector<1x128xf32>
        tpu.vector_store %arg11[%swap3A_58, %swap3A_59], %broadcast_in_dim3A_46 {strides = array<i32>} : memref<1x128xf32, #tpu.memory_space<vmem>>, vector<1x128xf32>,
        %swap3A_61 = arith.constant 0 : index
        %swap3A_62 = arith.constant 0 : index
        %swap3A_63 = vector.load %arg12[%swap3A_61, %swap3A_62] : memref<1x128xf32, #tpu.memory_space<vmem>>, vector<1x128xf32>
        tpu.vector_store %arg12[%swap3A_61, %swap3A_62], %broadcast_in_dim3A_49 {strides = array<i32>} : memref<1x128xf32, #tpu.memory_space<vmem>>, vector<1x128xf32>,
      } else {
      }
      %gt3A = arith.constant 0 : i32
      %gt3A_54 = arith.cmpi sgt, %arg0, %gt3A : i32
      %convert_element_type3A_55 = arith.extui %gt3A_54 : i1 to i32
      %cond3A_56 = arith.constant 0 : i32
      %cond3A_57 = arith.cmpi ne, %convert_element_type3A_55, %cond3A_56 : i32
      scf.if %cond3A_57 {
        %get3A_58 = arith.constant 0 : index
        %get3A_59 = arith.constant 0 : index
        %get3A_60 = vector.load %arg11[%get3A_58, %get3A_59] : memref<1x128xf32, #tpu.memory_space<vmem>>, vector<1x128xf32>
        %add3A_61 = arith.addf %get3A_60, %broadcast_in_dim3A_46 : vector<1x128xf32>
        %swap3A_62 = arith.constant 0 : index
        %swap3A_63 = arith.constant 0 : index
        %swap3A_64 = vector.load %arg11[%swap3A_62, %swap3A_63] : memref<1x128xf32, #tpu.memory_space<vmem>>, vector<1x128xf32>
        tpu.vector_store %arg11[%swap3A_62, %swap3A_63], %add3A_61 {strides = array<i32>} : memref<1x128xf32, #tpu.memory_space<vmem>>, vector<1x128xf32>,
        %get3A_65 = arith.constant 0 : index
        %get3A_66 = arith.constant 0 : index
        %get3A_67 = vector.load %arg12[%get3A_65, %get3A_66] : memref<1x128xf32, #tpu.memory_space<vmem>>, vector<1x128xf32>
        %add3A_68 = arith.addf %get3A_67, %broadcast_in_dim3A_49 : vector<1x128xf32>
        %swap3A_69 = arith.constant 0 : index
        %swap3A_70 = arith.constant 0 : index
        %swap3A_71 = vector.load %arg12[%swap3A_69, %swap3A_70] : memref<1x128xf32, #tpu.memory_space<vmem>>, vector<1x128xf32>
        tpu.vector_store %arg12[%swap3A_69, %swap3A_70], %add3A_68 {strides = array<i32>} : memref<1x128xf32, #tpu.memory_space<vmem>>, vector<1x128xf32>,
      } else {
      }
    } else {
    }
    %ge3A = arith.constant 5 : i32
    %ge3A_6 = arith.cmpi sge, %arg0, %ge3A : i32
    %convert_element_type3A_7 = arith.extui %ge3A_6 : i1 to i32
    %cond3A_8 = arith.constant 0 : i32
    %cond3A_9 = arith.cmpi ne, %convert_element_type3A_7, %cond3A_8 : i32
    scf.if %cond3A_9 {
      %get3A = arith.constant 0 : index
      %get3A_10 = arith.constant 0 : index
      %get3A_11 = vector.load %arg11[%get3A, %get3A_10] : memref<1x128xf32, #tpu.memory_space<vmem>>, vector<1x128xf32>
      %mul3A_12 = arith.constant 9.99999974E-5 : f32
      %mul3A_13 = vector.broadcast %mul3A_12 : f32 to vector<1x128xf32>
      %mul3A_14 = arith.mulf %get3A_11, %mul3A_13 : vector<1x128xf32>
      %get3A_15 = arith.constant 0 : index
      %get3A_16 = arith.constant 0 : index
      %get3A_17 = vector.load %arg12[%get3A_15, %get3A_16] : memref<1x128xf32, #tpu.memory_space<vmem>>, vector<1x128xf32>
      %mul3A_18 = arith.constant 9.99999974E-5 : f32
      %mul3A_19 = vector.broadcast %mul3A_18 : f32 to vector<1x128xf32>
      %mul3A_20 = arith.mulf %get3A_17, %mul3A_19 : vector<1x128xf32>
      %mul3A_21 = arith.mulf %mul3A_14, %mul3A_14 : vector<1x128xf32>
      %sub3A_22 = arith.subf %mul3A_20, %mul3A_21 : vector<1x128xf32>
      %get3A_23 = arith.index_cast %mul3A_2 : i32 to index
      %get3A_24 = arith.constant 0 : index
      %get3A_25 = vector.load %arg10[%get3A_23, %get3A_24] : memref<10240x128xf32, #tpu.memory_space<vmem>>, vector<2048x128xf32>
      %sub3A_26 = vector.broadcast %mul3A_14 : vector<1x128xf32> to vector<2048x128xf32>
      %sub3A_27 = arith.subf %get3A_25, %sub3A_26 : vector<2048x128xf32>
      %add3A = arith.constant 9.99999974E-6 : f32
      %add3A_28 = vector.broadcast %add3A : f32 to vector<1x128xf32>
      %add3A_29 = arith.addf %sub3A_22, %add3A_28 : vector<1x128xf32>
      %rsqrt3A = math.rsqrt %add3A_29 : vector<1x128xf32>
      %mul3A_30 = vector.broadcast %rsqrt3A : vector<1x128xf32> to vector<2048x128xf32>
      %mul3A_31 = arith.mulf %sub3A_27, %mul3A_30 : vector<2048x128xf32>
      %get3A_32 = arith.constant 0 : index
      %get3A_33 = arith.constant 0 : index
      %get3A_34 = vector.load %arg7[%get3A_32, %get3A_33] : memref<1x128xf32, #tpu.memory_space<vmem>>, vector<1x128xf32>
      %mul3A_35 = vector.broadcast %get3A_34 : vector<1x128xf32> to vector<2048x128xf32>
      %mul3A_36 = arith.mulf %mul3A_31, %mul3A_35 : vector<2048x128xf32>
      %get3A_37 = arith.constant 0 : index
      %get3A_38 = arith.constant 0 : index
      %get3A_39 = vector.load %arg8[%get3A_37, %get3A_38] : memref<1x128xf32, #tpu.memory_space<vmem>>, vector<1x128xf32>
      %add3A_40 = vector.broadcast %get3A_39 : vector<1x128xf32> to vector<2048x128xf32>
      %add3A_41 = arith.addf %mul3A_36, %add3A_40 : vector<2048x128xf32>
      %max3A = arith.constant 0.000000e+00 : f32
      %max3A_42 = vector.broadcast %max3A : f32 to vector<2048x128xf32>
      %max3A_43 = arith.maximumf %add3A_41, %max3A_42 : vector<2048x128xf32>
      %get3A_44 = arith.constant 0 : index
      %get3A_45 = arith.constant 0 : index
      %get3A_46 = vector.load %arg5[%get3A_44, %get3A_45] : memref<2048x128xf32, #tpu.memory_space<vmem>>, vector<2048x128xf32>
      %add3A_47 = arith.addf %max3A_43, %get3A_46 : vector<2048x128xf32>
      %swap3A = arith.constant 0 : index
      %swap3A_48 = arith.constant 0 : index
      %swap3A_49 = vector.load %arg9[%swap3A, %swap3A_48] : memref<2048x128xf32, #tpu.memory_space<vmem>>, vector<2048x128xf32>
      tpu.vector_store %arg9[%swap3A, %swap3A_48], %add3A_47 {strides = array<i32>} : memref<2048x128xf32, #tpu.memory_space<vmem>>, vector<2048x128xf32>,
    } else {
    }
    return
  }
  func.func @transform_0(%arg0: i32) -> (i32, i32, i32) {
    %lt3A = arith.constant 5 : i32
    %lt3A_0 = arith.cmpi slt, %arg0, %lt3A : i32
    %jit3A = arith.constant 4 : i32
    %select_n3A = arith.select %lt3A_0, %arg0, %jit3A : i32
    %c0_i32 = arith.constant 0 : i32
    %c0_i32_1 = arith.constant 0 : i32
    %c0_i32_2 = arith.constant 0 : i32
    return %c0_i32, %select_n3A, %c0_i32_1 : i32, i32, i32
  }
  func.func @transform_1(%arg0: i32) -> (i32, i32, i32) {
    %lt3A = arith.constant 5 : i32
    %lt3A_0 = arith.cmpi slt, %arg0, %lt3A : i32
    %jit3A = arith.constant 4 : i32
    %select_n3A = arith.select %lt3A_0, %arg0, %jit3A : i32
    %c1_i32 = arith.constant 1 : i32
    %c0_i32 = arith.constant 0 : i32
    %c0_i32_1 = arith.constant 0 : i32
    return %c1_i32, %select_n3A, %c0_i32 : i32, i32, i32
  }
  func.func @transform_2(%arg0: i32) -> (i32, i32) {
    %lt3A = arith.constant 5 : i32
    %lt3A_0 = arith.cmpi slt, %arg0, %lt3A : i32
    %jit3A = arith.constant 4 : i32
    %select_n3A = arith.select %lt3A_0, %arg0, %jit3A : i32
    %c0_i32 = arith.constant 0 : i32
    %c0_i32_1 = arith.constant 0 : i32
    return %select_n3A, %c0_i32 : i32, i32
  }
  func.func @transform_3(%arg0: i32) -> (i32, i32) {
    %lt3A = arith.constant 5 : i32
    %lt3A_0 = arith.cmpi slt, %arg0, %lt3A : i32
    %jit3A = arith.constant 4 : i32
    %select_n3A = arith.select %lt3A_0, %arg0, %jit3A : i32
    %c0_i32 = arith.constant 0 : i32
    %c0_i32_1 = arith.constant 0 : i32
    return %select_n3A, %c0_i32 : i32, i32
  }
  func.func @transform_4(%arg0: i32) -> (i32, i32) {
    %lt3A = arith.constant 5 : i32
    %lt3A_0 = arith.cmpi slt, %arg0, %lt3A : i32
    %sub3A = arith.constant 5 : i32
    %sub3A_1 = arith.subi %arg0, %sub3A : i32
    %jit3A = arith.constant 0 : i32
    %select_n3A = arith.select %lt3A_0, %jit3A, %sub3A_1 : i32
    %c0_i32 = arith.constant 0 : i32
    %c0_i32_2 = arith.constant 0 : i32
    return %select_n3A, %c0_i32 : i32, i32
  }
  func.func @transform_5(%arg0: i32) -> (i32, i32) {
    %c0_i32 = arith.constant 0 : i32
    %c0_i32_0 = arith.constant 0 : i32
    %c0_i32_1 = arith.constant 0 : i32
    return %c0_i32, %c0_i32_0 : i32, i32
  }
  func.func @transform_6(%arg0: i32) -> (i32, i32) {
    %c0_i32 = arith.constant 0 : i32
    %c0_i32_0 = arith.constant 0 : i32
    %c0_i32_1 = arith.constant 0 : i32
    return %c0_i32, %c0_i32_0 : i32, i32
  }
  func.func @transform_7(%arg0: i32) -> (i32, i32) {
    %c0_i32 = arith.constant 0 : i32
    %c0_i32_0 = arith.constant 0 : i32
    %c0_i32_1 = arith.constant 0 : i32
    return %c0_i32, %c0_i32_0 : i32, i32
  }
  func.func @transform_8(%arg0: i32) -> (i32, i32) {
    %lt3A = arith.constant 5 : i32
    %lt3A_0 = arith.cmpi slt, %arg0, %lt3A : i32
    %sub3A = arith.constant 5 : i32
    %sub3A_1 = arith.subi %arg0, %sub3A : i32
    %jit3A = arith.constant 0 : i32
    %select_n3A = arith.select %lt3A_0, %jit3A, %sub3A_1 : i32
    %c0_i32 = arith.constant 0 : i32
    %c0_i32_2 = arith.constant 0 : i32
    return %select_n3A, %c0_i32 : i32, i32
  }
}

</mosaic_0001>

<sc_bundles>
// kernel: kernel.11.cloned.1.call-start
scs
__scs_entry_jumppad:
0x0: {  	(pc) =	sbr.rel $0x88, $3  }
0x1: {  	(tag) =	ssettag $0x0;
	lr =	simm.s32 $0x1  }
0x2: {  	[smem:$0x3F9B] =	sst lr;
	_ =	strace $0xD0000000  }
0x3: {  	_ = 	snop  }
0x4: {  	_ = 	snop  }
0x5: {  	_ = 	snop  }
0x6: {  	_ = 	snop  }
0x7: {  	_ = 	snop  }
__scs_overlays_trampoline_lowered:
0x8: {  	[smem:$0x3FAA] =	sst s0  }
0x9: {  	[smem:$0x3FAB] =	sst s1  }
0xa: {  	[smem:$0x3FAC] =	sst s2  }
0xb: {  	[smem:$0x3FAD] =	sst s3  }
0xc: {  	[smem:$0x3FAE] =	sst s4  }
0xd: {  	[smem:$0x3FAF] =	sst s5  }
0xe: {  	[smem:$0x3FB0] =	sst s6  }
0xf: {  	[smem:$0x3FB1] =	sst s7  }
0x10: {  	[smem:$0x3FB2] =	sst s8  }
0x11: {  	[smem:$0x3FB3] =	sst s9;
	s0 =	simm.s32 @!p0 $0x0  }
0x12: {  	s1 =	sld [smem:$0x3F99];
	s0 =	simm.s32 @p0 $0x1  }
0x13: {  	[smem:$0x3FB4] =	sst s0;
	s0 =	simm.s32 @!p1 $0x0  }
0x14: {  	s2 =	sld [smem:$0x3F98];
	s0 =	simm.s32 @p1 $0x1  }
0x15: {  	[smem:$0x3FB5] =	sst s0;
	s0 =	simm.s32 @!p2 $0x0  }
0x16: {  	s3 =	sld [smem:$0x3FDB];
	s0 =	simm.s32 @p2 $0x1  }
0x17: {  	s4 =	simm.s32 $0x1BF5;
	[smem:$0x3FB7] =	sst s0  }
0x18: {  	s0 =	sld [smem:$0x3F9A];
	_ =	swait.ge [sflag:s4], $0x0  }
0x19: {  	s7 =	sld [smem:$0x3F9B]  }
0x1a: {  	s8 =	sadd.s32 $0xFFFFE003, lr  }
0x1b: {  	s9 =	sadd.s32 $0xFFFFFEF7, lr;
	s5 =	simm.s32 $0xFFFFFFFF;
	p2 =	slt.u32 s8, $0xFFFFF086  }
0x1c: {  	p1 =	slt.u32 s9, $0xF7A;
	s5 =	simm.s32 @!p2 $0x0  }
0x1d: {  	s5 =	simm.s32 @p1 $0x1;
	p0 =	seq.s32 s7, s2  }
0x1e: {  	s7 =	smul.u32 @!p0 $0xF7A, s2;
	p2 =	seq.s32 @!p0 s5, $0x0  }
0x1f: {  	s9 =	smul.u32 $0xF7A, s1;
	s8 =	simm.s32 @!p0 $0x1BF5;
	p2 =	por !p2, p0  }
0x20: {  	[sflag:s8] =	ssyncset.s32 @!p0 $0xFFFFF086;
	s6 =	sadd.s32 @!p0 s3, s7;
	s7 =	simm.s32 @!p0 $0x108  }
0x21: {  	s3 =	sadd.s32 s3, s9;
	s6 =	sadd.s32 @!p0 $0x88, s6;
	s7 =	simm.s32 @p2 $0x1082  }
0x22: {  	[simem:s7], [sflag:s8] =	dma.local @!p0 [hbm:s6], $0xF7A  }
0x23: {  	s9 =	sor.u32 $0xD0000000, s2;
	s6 =	simm.s32 $0x108;
	_ =	swait.ge @!p0 [sflag:s8], $0x0  }
0x24: {  	s3 =	sadd.s32 $0x88, s3;
	s6 =	simm.s32 @!p1 $0x1082;
	[sflag:s4] =	ssyncset.s32 $0xFFFFF086  }
0x25: {  	[simem:s6], [sflag:s4] =	dma.local [hbm:s3], $0xF7A  }
0x26: {  	[smem:$0x3F9B] =	sst s1;
	(tag) =	ssettag s2;
	_ =	strace s9  }
0x27: {  	s1 =	sld [smem:$0x3FAB]  }
0x28: {  	s2 =	sld [smem:$0x3FAC]  }
0x29: {  	s4 =	sld [smem:$0x3FAE]  }
0x2a: {  	p0 =	seq.s32 s5, $0x0;
	s5 =	sld [smem:$0x3FAF]  }
0x2b: {  	s6 =	sld [smem:$0x3FB0]  }
0x2c: {  	s7 =	sld [smem:$0x3FB1]  }
0x2d: {  	s3 =	simm.s32 $0x108;
	s8 =	sld [smem:$0x3FB2]  }
0x2e: {  	s3 =	simm.s32 @!p0 $0x1082;
	s9 =	sld [smem:$0x3FB3]  }
0x2f: {  	lr =	sadd.s32 s0, s3;
	s0 =	sld [smem:$0x3FAA]  }
0x30: {  	s3 =	sld [smem:$0x3FAD]  }
0x31: {  	[smem:$0x3FB6] =	sst s10  }
0x32: {  	s10 =	sld [smem:$0x3FB4];
	_ =	sdelay $0x3  }
0x33: {  	p0 =	seq.s32 s10, $0x1;
	s10 =	sld [smem:$0x3FB6];
	_ =	sdelay $0x3  }
0x34: {  	[smem:$0x3FB6] =	sst s10  }
0x35: {  	s10 =	sld [smem:$0x3FB5];
	_ =	sdelay $0x3  }
0x36: {  	p1 =	seq.s32 s10, $0x1;
	s10 =	sld [smem:$0x3FB6];
	_ =	sdelay $0x3  }
0x37: {  	[smem:$0x3FB6] =	sst s10  }
0x38: {  	s10 =	sld [smem:$0x3FB7]  }
0x39: {  	_ = 	snop;
	(pc) =	sbr.ind lr, $3  }
0x3a: {  	_ = 	snop  }
0x3b: {  	_ = 	snop  }
0x3c: {  	p2 =	seq.s32 s10, $0x1;
	s10 =	sld [smem:$0x3FB6]  }
0x3d: {  	_ =	shalt  }
0x3e: {  	_ =	shalt  }
0x3f: {  	_ =	shalt  }
0x40: {  	_ =	shalt  }
0x41: {  	_ =	shalt  }
0x42: {  	_ =	shalt  }
0x43: {  	_ =	shalt  }
0x44: {  	_ =	shalt  }
0x45: {  	_ =	shalt  }
0x46: {  	_ =	shalt  }
0x47: {  	_ =	shalt  }
0x48: {  	_ =	shalt  }
0x49: {  	_ =	shalt  }
0x4a: {  	_ =	shalt  }
0x4b: {  	_ =	shalt  }
0x4c: {  	_ =	shalt  }
0x4d: {  	_ =	shalt  }
0x4e: {  	_ =	shalt  }
0x4f: {  	_ =	shalt  }
0x50: {  	_ =	shalt  }
0x51: {  	_ =	shalt  }
0x52: {  	_ =	shalt  }
0x53: {  	_ =	shalt  }
0x54: {  	_ =	shalt  }
0x55: {  	_ =	shalt  }
0x56: {  	_ =	shalt  }
0x57: {  	_ =	shalt  }
0x58: {  	_ =	shalt  }
0x59: {  	_ =	shalt  }
0x5a: {  	_ =	shalt  }
0x5b: {  	_ =	shalt  }
0x5c: {  	_ =	shalt  }
0x5d: {  	_ =	shalt  }
0x5e: {  	_ =	shalt  }
0x5f: {  	_ =	shalt  }
0x60: {  	_ =	shalt  }
0x61: {  	_ =	shalt  }
0x62: {  	_ =	shalt  }
0x63: {  	_ =	shalt  }
0x64: {  	_ =	shalt  }
0x65: {  	_ =	shalt  }
0x66: {  	_ =	shalt  }
0x67: {  	_ =	shalt  }
0x68: {  	_ =	shalt  }
0x69: {  	_ =	shalt  }
0x6a: {  	_ =	shalt  }
0x6b: {  	_ =	shalt  }
0x6c: {  	_ =	shalt  }
0x6d: {  	_ =	shalt  }
0x6e: {  	_ =	shalt  }
0x6f: {  	_ =	shalt  }
0x70: {  	_ =	shalt  }
0x71: {  	_ =	shalt  }
0x72: {  	_ =	shalt  }
0x73: {  	_ =	shalt  }
0x74: {  	_ =	shalt  }
0x75: {  	_ =	shalt  }
0x76: {  	_ =	shalt  }
0x77: {  	_ =	shalt  }
0x78: {  	_ =	shalt  }
0x79: {  	_ =	shalt  }
0x7a: {  	_ =	shalt  }
0x7b: {  	_ =	shalt  }
0x7c: {  	_ =	shalt  }
0x7d: {  	_ =	shalt  }
0x7e: {  	_ =	shalt  }
0x7f: {  	_ =	shalt  }
0x80: {  	_ =	shalt  }
0x81: {  	_ =	shalt  }
0x82: {  	_ =	shalt  }
0x83: {  	_ =	shalt  }
0x84: {  	_ =	shalt  }
0x85: {  	_ =	shalt  }
0x86: {  	_ =	shalt  }
0x87: {  	_ =	shalt  }
.Lfunc_end0:
.L_simem_size_0:
called_computation.1_lowered:
.L_overlay_start_0:
0x88: {  	s2 =	sld [smem:$0x3FD9]  }
0x89: {  	s3 =	sld [smem:$0x3FFE];
	_ =	sdelay $0x1  }
0x8a: {  	s1 =	srdreg.scid  }
0x8b: {  	s0 =	sand.u32 $0x1, s1  }
0x8c: {  	s17 =	sshll.u32 s0, $0xA;
	s2 =	sadd.s32 s3, s2  }
0x8d: {  	s2 =	sadd.s32 s2, s17  }
0x8e: {  	[smem:$0x3FC2] =	sst s2  }
0x8f: {  	_ = 	snop  }
0x90: {  	s2 =	sld [smem:$0x3FD0];
	(tm) =	ssettm $0x1  }
0x91: {  	s18 =	sld [smem:$0x3FFB];
	_ =	sdelay $0x3  }
0x92: {  	_ =	strace s18  }
0x93: {  	s3 =	sld [smem:$0x3FFC];
	_ =	sdelay $0x3  }
0x94: {  	_ =	strace s3  }
0x95: {  	s3 =	sld [smem:$0x3FFD];
	_ =	sdelay $0x3  }
0x96: {  	_ =	strace s3  }
0x97: {  	_ =	strace $0x8FFFFFFF  }
0x98: {  	s19 =	sld [smem:$0x3FDB];
	_ =	sdelay $0x1  }
0x99: {  	s4 =	simm.s32 $_scs_section_size  }
0x9a: {  	s5 =	simm.s32 $_size__tile_overlayer_lowered;
	s6 =	simm.s32 $_tile_overlayer_lowered  }
0x9b: {  	s22 =	simm.s32 $0x1BFF;
	s21 =	sshll.u32 s6, $0x1;
	s3 =	sadd.s32 s4, s19  }
0x9c: {  	s7 =	simm.s32 $0x0;
	s20 =	sshll.u32 s5, $0x1;
	s5 =	sadd.s32 s21, s3  }
0x9d: {  	[timem:s7], [sflag:s22] =	dma.local [hbm:s5], s20  }
0x9e: {  	_ =	swait.ge [sflag:s22], s20  }
0x9f: {  	s4 =	ssub.s32 $0x0, s20;
	[sflag:s22] =	ssyncset.done $0x0  }
0xa0: {  	[sflag:s22] =	ssyncadd.s32 s4;
	_ =	sdelay $0x1  }
0xa1: {  	s23 =	simm.s32 $0x1B8B  }
0xa2: {  	_ =	swait.ge [sflag:s23], $0x1  }
0xa3: {  	[sflag:s23] =	ssyncset.done $0x0  }
0xa4: {  	s25 =	simm.s32 $0x1B8E;
	s24 =	sld [smem:$0x3FFE];
	[sflag:s23] =	ssyncadd.s32 $0xFFFFFFFF  }
0xa5: {  	s26 =	simm.s32 $execute0_lowered;
	[smem:$0x3FD2] =	sst s25  }
0xa6: {  	s5 =	sshll.u32 s26, $0x1;
	_ =	strace $0x80000049;
	[dreg:$0x1] =	wrdreg $0xFFFFFFFF  }
0xa7: {  	s28 =	simm.s32 $_size_execute0_lowered;
	s3 =	sadd.s32 s3, s5;
	[dreg:$0x0] =	wrdreg $0x0  }
0xa8: {  	s5 =	sshll.u32 s28, $0x1;
	[dreg:$0x2] =	wrdreg s3  }
0xa9: {  	[dreg:$0x3] =	wrdreg s5  }
0xaa: {  	[dreg:$0x4] =	wrdreg $0xC0  }
0xab: {  	_ =	task [dreg:s7], $0x5FFFF  }
0xac: {  	[dreg:$0x1] =	wrdreg $0xFFFFFFFF  }
0xad: {  	[dreg:$0x0] =	wrdreg $0x60  }
0xae: {  	[dreg:$0x2] =	wrdreg s2  }
0xaf: {  	[dreg:$0x3] =	wrdreg s24  }
0xb0: {  	[dreg:$0x4] =	wrdreg $0xA8000  }
0xb1: {  	[dreg:$0x5] =	wrdreg $0x9  }
0xb2: {  	_ =	task.clear_ibuf [dreg:s7], $0x6FFFF;
	_ =	strace $0x90000049  }
0xb3: {  	s29 =	simm.s32 $0x9;
	_ =	strace $0x8000004B  }
0xb4: {  	_ =	swait.ge [sflag:s29], $0x1  }
0xb5: {  	[sflag:s29] =	ssyncadd.s32 $0xFFFFFFFF  }
0xb6: {  	_ =	strace $0x9000004B  }
0xb7: {  	_ =	sfence  }
0xb8: {  	s30 =	sld [smem:$0x0];
	_ =	sdelay $0x2  }
0xb9: {  	s31 =	sshll.u32 s1, $0xD;
	s1 =	sshrl.u32 s1, $0x2  }
0xba: {  	s3 =	sand.u32 $0x4000, s31;
	s1 =	sadd.s32 s1, s30  }
0xbb: {  	s0 =	sor.u32 s3, s0;
	s1 =	sshll.u32 s1, $0x11  }
0xbc: {  	s0 =	sor.u32 s1, s0  }
0xbd: {  	s0 =	sadd.s32 $0x8F2B, s0  }
0xbe: {  	[sflag:s0] =	ssyncadd.remote.s32 $0x1  }
0xbf: {  	_ =	sfence.sel $0xFFFF  }
0xc0: {  	[dreg:$0x0] =	wrdreg $0xFFFFFFFF;
	(pc) =	sbr.abs _section_cstart, $3  }
0xc1: {  	[dreg:$0x1] =	wrdreg $0xFFFFFFFF  }
0xc2: {  	_ =	task.clear_ibuf [dreg:s7], $0x2FFFF;
	_ =	strace $0x9FFFFFFF  }
0xc3: {  	(tm) =	ssettm $0x7FFFFFFF  }
tec
execute0_lowered:
.L_overlay_start_1:
0x0: {  	(tag) =	ssettag $0x1  }
0x1: {  	s1 =	rddreg [dreg:$0x0]  }
0x2: {  	s0 =	rddreg [dreg:$0x1];
	s2 =	srdreg.scid  }
0x3: {  	s7 =	stileid.u32;
	s3 =	rddreg [dreg:$0x2]  }
0x4: {  	s4 =	simm.s32 $0x0;
	s20 =	simm.s32 $0x2800;
	s21 =	simm.s32 $0x5  }
0x5: {  	s28 =	simm.s32 $0x3;
	s29 =	simm.s32 $0x4;
	s30 =	simm.s32 $0x2700  }
0x6: {  	s31 =	simm.s32 $0x2780;
	s2 =	sand.u32 $0x1, s2;
	s5 =	smul.u32 $0x280, s7  }
0x7: {  	[smem:$0x7FF] =	sst s4;
	s10 =	sadd.s32 $0xC200, s0;
	s22 =	smul.u32 $0x50000, s7  }
0x8: {  	s13 =	sadd.s32 $0x2200, s0;
	s23 =	sshll.u32 s7, $0x1;
	s6 =	smul.u32 $0x2800, s2  }
0x9: {  	_ =	strace $0x8000004A;
	s24 =	ssub.s32 $0x2, s2;
	s2 =	sor.u32 s2, s23  }
0xa: {  	s23 =	simm.s32 $0x80;
	s25 =	sshrl.u32 s22, $0x2;
	s9 =	smul.u32 $0x2800, s2  }
0xb: {  	s26 =	sshrl.u32 s24, $0x1;
	s2 =	smul.u32 $0x500, s2;
	s22 =	simm.s32 $0x1400  }
0xc: {  	s5 =	sadd.s32 s5, s6;
	s19 =	ssub.s32 s24, s26;
	s24 =	simm.s32 $0x6800  }
0xd: {  	s26 =	simm.s32 $0x2;
	s5 =	sshll.u32 s5, $0x4;
	s11 =	sshrl.u32 s9, $0x3  }
0xe: {  	s12 =	sadd.s32 s10, s2;
	s2 =	sadd.s32 s13, s2;
	s19 =	smax.u32 s19, $0x1  }
0xf: {  	s0 =	sadd.s32 s5, s0;
	s5 =	sadd.s32 s25, s3;
	[dreg:$0x4] =	wrdreg s12  }
0x10: {  	s14 =	sadd.s32 $0x280, s11;
	[dreg:$0x5] =	wrdreg s2;
	s25 =	simm.s32 $0x1  }
0x11: {  	s2 =	simm.s32 $0x0;
	s6 =	sadd.s32 $0x4000, s5;
	s7 =	sadd.s32 $0x8000, s5  }
0x12: {  	s8 =	sadd.s32 $0xC000, s5;
	s9 =	sadd.s32 $0x10000, s5;
	s12 =	sadd.s32 s10, s14  }
0x13: {  	s13 =	sadd.s32 s13, s14;
	s14 =	sadd.s32 $0x16200, s0;
	s15 =	sadd.s32 $0x16A00, s0  }
0x14: {  	v0 =	vimm.f32 $0.0e+00;
	s16 =	sadd.s32 $0x17200, s0;
	s17 =	sadd.s32 $0x17A00, s0;
	s18 =	sadd.s32 $0x18200, s0  }
.LBB2_1:
0x15: {  	s0 =	simm.s32 $0x0;
	s10 =	simm.s32 $0x200  }
.LBB2_2:
0x16: {  	p0 =	sne.s32 s10, $0xFE00;
	[tilespmem:s0+$0x2870] =	vst v0  }
0x17: {  	[tilespmem:s0+$0x2800] =	vst v0  }
0x18: {  	[tilespmem:s0+$0x2810] =	vst v0  }
.Ltmp0:
0x19: {  	[tilespmem:s0+$0x2820] =	vst v0;
	(pc) =	sbr.rel @p0 .LBB2_2-.Ltmp0, $4  }
0x1a: {  	[tilespmem:s0+$0x2830] =	vst v0  }
0x1b: {  	[tilespmem:s0+$0x2840] =	vst v0  }
0x1c: {  	[tilespmem:s0+$0x2850] =	vst v0  }
0x1d: {  	[tilespmem:s0+$0x2860] =	vst v0;
	s0 =	sshra.s32 s10, $0x2;
	s10 =	sadd.s32 $0x200, s10  }
0x1e: {  	[tilespmem:s0+$0x2870] =	vst v0  }
0x1f: {  	[tilespmem:s0+$0x2800] =	vst v0  }
0x20: {  	[tilespmem:s0+$0x2810] =	vst v0  }
0x21: {  	[tilespmem:s0+$0x2820] =	vst v0  }
0x22: {  	[tilespmem:s0+$0x2830] =	vst v0  }
0x23: {  	[tilespmem:s0+$0x2840] =	vst v0  }
0x24: {  	[tilespmem:s0+$0x2850] =	vst v0  }
0x25: {  	[tilespmem:s0+$0x2860] =	vst v0  }
0x26: {  	[spmem:s5] =	stream.linear.scatter [tilespmem:s20], [sflag:$0x5], $0x4000, $0x38;
	[tilespmem:$0x1E800] =	vst v63  }
0x27: {  	_ =	swait.ge [sflag:s21], $0x4000  }
0x28: {  	[sflag:s21] =	ssyncset.done $0x0  }
0x29: {  	[sflag:s21] =	ssyncadd.s32 $0xFFFFC000  }
0x2a: {  	[spmem:s6] =	stream.linear.scatter [tilespmem:s20], [sflag:$0x5], $0x4000, $0x38;
	[tilespmem:$0x1E800] =	vst v63  }
0x2b: {  	_ =	swait.ge [sflag:s21], $0x4000  }
0x2c: {  	[sflag:s21] =	ssyncset.done $0x0  }
0x2d: {  	[sflag:s21] =	ssyncadd.s32 $0xFFFFC000  }
0x2e: {  	[spmem:s7] =	stream.linear.scatter [tilespmem:s20], [sflag:$0x5], $0x4000, $0x38;
	[tilespmem:$0x1E800] =	vst v63  }
0x2f: {  	_ =	swait.ge [sflag:s21], $0x4000  }
0x30: {  	[sflag:s21] =	ssyncset.done $0x0  }
0x31: {  	[sflag:s21] =	ssyncadd.s32 $0xFFFFC000  }
0x32: {  	[spmem:s8] =	stream.linear.scatter [tilespmem:s20], [sflag:$0x5], $0x4000, $0x38;
	[tilespmem:$0x1E800] =	vst v63  }
0x33: {  	_ =	swait.ge [sflag:s21], $0x4000  }
0x34: {  	[sflag:s21] =	ssyncset.done $0x0  }
0x35: {  	[sflag:s21] =	ssyncadd.s32 $0xFFFFC000  }
0x36: {  	[spmem:s9] =	stream.linear.scatter [tilespmem:s20], [sflag:$0x5], $0x4000, $0x38;
	[tilespmem:$0x1E800] =	vst v63  }
0x37: {  	_ =	swait.ge [sflag:s21], $0x4000  }
0x38: {  	[sflag:s21] =	ssyncset.done $0x0  }
0x39: {  	[sflag:s21] =	ssyncadd.s32 $0xFFFFC000  }
0x3a: {  	[bflag:$0x0] =	sbarrier.arrive $0xFFFF  }
0x3b: {  	s0 =	simm.s32 $0x0;
	s10 =	rddreg [dreg:$0x4]  }
0x3c: {  	[tilespmem:s0], [sflag:$0x5] =	stream.linear.gather [hbm4b:s10+s0], $0x1400, $0x38;
	[tilespmem:$0x1E800] =	vst v63  }
0x3d: {  	_ =	swait.ge [sflag:s21], $0x1400  }
0x3e: {  	[sflag:s21] =	ssyncset.done $0x0  }
0x3f: {  	s11 =	rddreg [dreg:$0x5];
	[sflag:s21] =	ssyncadd.s32 $0xFFFFEC00  }
0x40: {  	[tilespmem:s22], [sflag:$0x5] =	stream.linear.gather [hbm4b:s11+s0], $0x1400, $0x38;
	[tilespmem:$0x1E800] =	vst v63  }
0x41: {  	_ =	swait.ge [sflag:s21], $0x1400  }
0x42: {  	[sflag:s21] =	ssyncset.done $0x0  }
0x43: {  	[sflag:s21] =	ssyncadd.s32 $0xFFFFEC00  }
0x44: {  	[tilespmem:s20], [sflag:$0x1] =	stream.indirect.gather [hbm4b:s1+s23], $0x80, s0, s23, $0xb8;
	[tilespmem:$0x1E800] =	vst v63  }
0x45: {  	_ = 	snop  }
0x46: {  	[tilespmem:s24], [sflag:$0x2] =	stream.indirect.gather [hbm4b:s1+s23], $0x80, s23, s23, $0xb8;
	[tilespmem:$0x1E800] =	vst v63  }
0x47: {  	_ =	swait.ge [sflag:s25], $0x4000  }
0x48: {  	[sflag:s25] =	ssyncset.done $0x0  }
0x49: {  	s11 =	simm.s32 $0x1400;
	[sflag:s25] =	ssyncadd.s32 $0xFFFFC000  }
0x4a: {  	[spmem:s3] =	stream.indirect.scatter.add.f32 [tilespmem:s20], [sflag:$0x3], $0x80, s11, s23, $0xb8;
	[tilespmem:$0x1E800] =	vst v63  }
0x4b: {  	_ =	swait.ge [sflag:s26], $0x4000  }
0x4c: {  	[sflag:s26] =	ssyncset.done $0x0  }
0x4d: {  	s10 =	simm.s32 $0x1480;
	[sflag:s26] =	ssyncadd.s32 $0xFFFFC000  }
0x4e: {  	[spmem:s3] =	stream.indirect.scatter.add.f32 [tilespmem:s24], [sflag:$0x4], $0x80, s10, s23, $0xb8;
	[tilespmem:$0x1E800] =	vst v63  }
0x4f: {  	_ =	swait.ge [sflag:s28], $0x4000  }
0x50: {  	[sflag:s28] =	ssyncset.done $0x0  }
0x51: {  	s11 =	simm.s32 $0x100;
	[sflag:s28] =	ssyncadd.s32 $0xFFFFC000  }
0x52: {  	[tilespmem:s20], [sflag:$0x1] =	stream.indirect.gather [hbm4b:s1+s23], $0x80, s11, s23, $0xb8;
	[tilespmem:$0x1E800] =	vst v63  }
0x53: {  	_ =	swait.ge [sflag:s29], $0x4000  }
0x54: {  	[sflag:s29] =	ssyncset.done $0x0  }
0x55: {  	s0 =	simm.s32 $0x400;
	s10 =	simm.s32 $0x180;
	[sflag:s29] =	ssyncadd.s32 $0xFFFFC000  }
.LBB2_4:
0x56: {  	[tilespmem:s24], [sflag:$0x2] =	stream.indirect.gather [hbm4b:s1+s23], $0x80, s10, s23, $0xb8;
	[tilespmem:$0x1E800] =	vst v63  }
0x57: {  	s10 =	smov.u32 s0  }
0x58: {  	p0 =	sne.s32 s0, $0x4800;
	s0 =	sadd.s32 $0x400, s0;
	_ =	swait.ge [sflag:s25], $0x4000  }
0x59: {  	s10 =	sshra.s32 s10, $0x2;
	[sflag:s25] =	ssyncset.done $0x0  }
0x5a: {  	s11 =	sadd.s32 $0x1400, s10;
	[sflag:s25] =	ssyncadd.s32 $0xFFFFC000  }
0x5b: {  	[spmem:s3] =	stream.indirect.scatter.add.f32 [tilespmem:s20], [sflag:$0x3], $0x80, s11, s23, $0xb8;
	[tilespmem:$0x1E800] =	vst v63  }
0x5c: {  	_ =	swait.ge [sflag:s26], $0x4000  }
0x5d: {  	[sflag:s26] =	ssyncset.done $0x0  }
0x5e: {  	s11 =	sadd.s32 $0x1480, s10;
	[sflag:s26] =	ssyncadd.s32 $0xFFFFC000  }
0x5f: {  	[spmem:s3] =	stream.indirect.scatter.add.f32 [tilespmem:s24], [sflag:$0x4], $0x80, s11, s23, $0xb8;
	[tilespmem:$0x1E800] =	vst v63  }
0x60: {  	_ =	swait.ge [sflag:s28], $0x4000  }
0x61: {  	[sflag:s28] =	ssyncset.done $0x0  }
.Ltmp1:
0x62: {  	s11 =	sadd.s32 $0x100, s10;
	[sflag:s28] =	ssyncadd.s32 $0xFFFFC000;
	(pc) =	sbr.rel @p0 .LBB2_4-.Ltmp1, $4  }
0x63: {  	[tilespmem:s20], [sflag:$0x1] =	stream.indirect.gather [hbm4b:s1+s23], $0x80, s11, s23, $0xb8;
	[tilespmem:$0x1E800] =	vst v63  }
0x64: {  	_ =	swait.ge [sflag:s29], $0x4000  }
0x65: {  	[sflag:s29] =	ssyncset.done $0x0  }
0x66: {  	s10 =	sadd.s32 $0x180, s10;
	[sflag:s29] =	ssyncadd.s32 $0xFFFFC000  }
0x67: {  	[tilespmem:s24], [sflag:$0x2] =	stream.indirect.gather [hbm4b:s1+s23], $0x80, s10, s23, $0xb8;
	[tilespmem:$0x1E800] =	vst v63  }
0x68: {  	_ =	swait.ge [sflag:s25], $0x4000  }
0x69: {  	[sflag:s25] =	ssyncset.done $0x0  }
0x6a: {  	[sflag:s25] =	ssyncadd.s32 $0xFFFFC000  }
0x6b: {  	[spmem:s3] =	stream.indirect.scatter.add.f32 [tilespmem:s20], [sflag:$0x3], $0x80, s30, s23, $0xb8;
	[tilespmem:$0x1E800] =	vst v63  }
0x6c: {  	_ =	swait.ge [sflag:s26], $0x4000  }
0x6d: {  	[sflag:s26] =	ssyncset.done $0x0  }
0x6e: {  	[sflag:s26] =	ssyncadd.s32 $0xFFFFC000  }
0x6f: {  	[spmem:s3] =	stream.indirect.scatter.add.f32 [tilespmem:s24], [sflag:$0x4], $0x80, s31, s23, $0xb8;
	[tilespmem:$0x1E800] =	vst v63  }
0x70: {  	_ =	swait.ge [sflag:s28], $0x4000  }
0x71: {  	[sflag:s28] =	ssyncset.done $0x0  }
0x72: {  	[sflag:s28] =	ssyncadd.s32 $0xFFFFC000  }
0x73: {  	_ =	swait.ge [sflag:s29], $0x4000  }
0x74: {  	[sflag:s29] =	ssyncset.done $0x0  }
0x75: {  	s0 =	simm.s32 $0x0;
	[sflag:s29] =	ssyncadd.s32 $0xFFFFC000  }
0x76: {  	[tilespmem:s0], [sflag:$0x5] =	stream.linear.gather [hbm4b:s12+s0], $0x1400, $0x38;
	[tilespmem:$0x1E800] =	vst v63  }
0x77: {  	_ =	swait.ge [sflag:s21], $0x1400  }
0x78: {  	[sflag:s21] =	ssyncset.done $0x0  }
0x79: {  	[sflag:s21] =	ssyncadd.s32 $0xFFFFEC00  }
0x7a: {  	[tilespmem:s22], [sflag:$0x5] =	stream.linear.gather [hbm4b:s13+s0], $0x1400, $0x38;
	[tilespmem:$0x1E800] =	vst v63  }
0x7b: {  	_ =	swait.ge [sflag:s21], $0x1400  }
0x7c: {  	[sflag:s21] =	ssyncset.done $0x0  }
0x7d: {  	[sflag:s21] =	ssyncadd.s32 $0xFFFFEC00  }
0x7e: {  	[tilespmem:s20], [sflag:$0x1] =	stream.indirect.gather [hbm4b:s1+s23], $0x80, s0, s23, $0xb8;
	[tilespmem:$0x1E800] =	vst v63  }
0x7f: {  	_ = 	snop  }
0x80: {  	[tilespmem:s24], [sflag:$0x2] =	stream.indirect.gather [hbm4b:s1+s23], $0x80, s23, s23, $0xb8;
	[tilespmem:$0x1E800] =	vst v63  }
0x81: {  	_ =	swait.ge [sflag:s25], $0x4000  }
0x82: {  	[sflag:s25] =	ssyncset.done $0x0  }
0x83: {  	s11 =	simm.s32 $0x1400;
	[sflag:s25] =	ssyncadd.s32 $0xFFFFC000  }
0x84: {  	[spmem:s3] =	stream.indirect.scatter.add.f32 [tilespmem:s20], [sflag:$0x3], $0x80, s11, s23, $0xb8;
	[tilespmem:$0x1E800] =	vst v63  }
0x85: {  	_ =	swait.ge [sflag:s26], $0x4000  }
0x86: {  	[sflag:s26] =	ssyncset.done $0x0  }
0x87: {  	s10 =	simm.s32 $0x1480;
	[sflag:s26] =	ssyncadd.s32 $0xFFFFC000  }
0x88: {  	[spmem:s3] =	stream.indirect.scatter.add.f32 [tilespmem:s24], [sflag:$0x4], $0x80, s10, s23, $0xb8;
	[tilespmem:$0x1E800] =	vst v63  }
0x89: {  	_ =	swait.ge [sflag:s28], $0x4000  }
0x8a: {  	[sflag:s28] =	ssyncset.done $0x0  }
0x8b: {  	s11 =	simm.s32 $0x100;
	[sflag:s28] =	ssyncadd.s32 $0xFFFFC000  }
0x8c: {  	[tilespmem:s20], [sflag:$0x1] =	stream.indirect.gather [hbm4b:s1+s23], $0x80, s11, s23, $0xb8;
	[tilespmem:$0x1E800] =	vst v63  }
0x8d: {  	_ =	swait.ge [sflag:s29], $0x4000  }
0x8e: {  	[sflag:s29] =	ssyncset.done $0x0  }
0x8f: {  	s0 =	simm.s32 $0x400;
	s10 =	simm.s32 $0x180;
	[sflag:s29] =	ssyncadd.s32 $0xFFFFC000  }
.LBB2_6:
0x90: {  	[tilespmem:s24], [sflag:$0x2] =	stream.indirect.gather [hbm4b:s1+s23], $0x80, s10, s23, $0xb8;
	[tilespmem:$0x1E800] =	vst v63  }
0x91: {  	s10 =	smov.u32 s0  }
0x92: {  	p0 =	sne.s32 s0, $0x4800;
	s0 =	sadd.s32 $0x400, s0;
	_ =	swait.ge [sflag:s25], $0x4000  }
0x93: {  	s10 =	sshra.s32 s10, $0x2;
	[sflag:s25] =	ssyncset.done $0x0  }
0x94: {  	s11 =	sadd.s32 $0x1400, s10;
	[sflag:s25] =	ssyncadd.s32 $0xFFFFC000  }
0x95: {  	[spmem:s3] =	stream.indirect.scatter.add.f32 [tilespmem:s20], [sflag:$0x3], $0x80, s11, s23, $0xb8;
	[tilespmem:$0x1E800] =	vst v63  }
0x96: {  	_ =	swait.ge [sflag:s26], $0x4000  }
0x97: {  	[sflag:s26] =	ssyncset.done $0x0  }
0x98: {  	s11 =	sadd.s32 $0x1480, s10;
	[sflag:s26] =	ssyncadd.s32 $0xFFFFC000  }
0x99: {  	[spmem:s3] =	stream.indirect.scatter.add.f32 [tilespmem:s24], [sflag:$0x4], $0x80, s11, s23, $0xb8;
	[tilespmem:$0x1E800] =	vst v63  }
0x9a: {  	_ =	swait.ge [sflag:s28], $0x4000  }
0x9b: {  	[sflag:s28] =	ssyncset.done $0x0  }
.Ltmp2:
0x9c: {  	s11 =	sadd.s32 $0x100, s10;
	[sflag:s28] =	ssyncadd.s32 $0xFFFFC000;
	(pc) =	sbr.rel @p0 .LBB2_6-.Ltmp2, $4  }
0x9d: {  	[tilespmem:s20], [sflag:$0x1] =	stream.indirect.gather [hbm4b:s1+s23], $0x80, s11, s23, $0xb8;
	[tilespmem:$0x1E800] =	vst v63  }
0x9e: {  	_ =	swait.ge [sflag:s29], $0x4000  }
0x9f: {  	[sflag:s29] =	ssyncset.done $0x0  }
0xa0: {  	s10 =	sadd.s32 $0x180, s10;
	[sflag:s29] =	ssyncadd.s32 $0xFFFFC000  }
0xa1: {  	[tilespmem:s24], [sflag:$0x2] =	stream.indirect.gather [hbm4b:s1+s23], $0x80, s10, s23, $0xb8;
	[tilespmem:$0x1E800] =	vst v63  }
0xa2: {  	_ =	swait.ge [sflag:s25], $0x4000  }
0xa3: {  	[sflag:s25] =	ssyncset.done $0x0  }
0xa4: {  	[sflag:s25] =	ssyncadd.s32 $0xFFFFC000  }
0xa5: {  	[spmem:s3] =	stream.indirect.scatter.add.f32 [tilespmem:s20], [sflag:$0x3], $0x80, s30, s23, $0xb8;
	[tilespmem:$0x1E800] =	vst v63  }
0xa6: {  	_ =	swait.ge [sflag:s26], $0x4000  }
0xa7: {  	[sflag:s26] =	ssyncset.done $0x0  }
0xa8: {  	[sflag:s26] =	ssyncadd.s32 $0xFFFFC000  }
0xa9: {  	[spmem:s3] =	stream.indirect.scatter.add.f32 [tilespmem:s24], [sflag:$0x4], $0x80, s31, s23, $0xb8;
	[tilespmem:$0x1E800] =	vst v63  }
0xaa: {  	_ =	swait.ge [sflag:s28], $0x4000  }
0xab: {  	[sflag:s28] =	ssyncset.done $0x0  }
0xac: {  	[sflag:s28] =	ssyncadd.s32 $0xFFFFC000  }
0xad: {  	_ =	swait.ge [sflag:s29], $0x4000  }
0xae: {  	[sflag:s29] =	ssyncset.done $0x0  }
0xaf: {  	[sflag:s29] =	ssyncadd.s32 $0xFFFFC000  }
0xb0: {  	[bflag:$0x0] =	sbarrier.arrive $0xFFFF  }
0xb1: {  	[tilespmem:s20], [sflag:$0x5] =	stream.linear.gather [spmem:s5], $0x4000, $0x38;
	[tilespmem:$0x1E800] =	vst v63  }
0xb2: {  	_ =	swait.ge [sflag:s21], $0x4000  }
0xb3: {  	[sflag:s21] =	ssyncset.done $0x0  }
0xb4: {  	[sflag:s21] =	ssyncadd.s32 $0xFFFFC000  }
0xb5: {  	[hbm4b:s14+s4] =	stream.linear.scatter [tilespmem:s20], [sflag:$0x5], $0x4000, $0x38;
	[tilespmem:$0x1E800] =	vst v63  }
0xb6: {  	_ =	swait.ge [sflag:s21], $0x4000  }
0xb7: {  	[sflag:s21] =	ssyncset.done $0x0  }
0xb8: {  	[sflag:s21] =	ssyncadd.s32 $0xFFFFC000  }
0xb9: {  	[tilespmem:s20], [sflag:$0x5] =	stream.linear.gather [spmem:s6], $0x4000, $0x38;
	[tilespmem:$0x1E800] =	vst v63  }
0xba: {  	_ =	swait.ge [sflag:s21], $0x4000  }
0xbb: {  	[sflag:s21] =	ssyncset.done $0x0  }
0xbc: {  	[sflag:s21] =	ssyncadd.s32 $0xFFFFC000  }
0xbd: {  	[hbm4b:s15+s4] =	stream.linear.scatter [tilespmem:s20], [sflag:$0x5], $0x4000, $0x38;
	[tilespmem:$0x1E800] =	vst v63  }
0xbe: {  	_ =	swait.ge [sflag:s21], $0x4000  }
0xbf: {  	[sflag:s21] =	ssyncset.done $0x0  }
0xc0: {  	[sflag:s21] =	ssyncadd.s32 $0xFFFFC000  }
0xc1: {  	[tilespmem:s20], [sflag:$0x5] =	stream.linear.gather [spmem:s7], $0x4000, $0x38;
	[tilespmem:$0x1E800] =	vst v63  }
0xc2: {  	_ =	swait.ge [sflag:s21], $0x4000  }
0xc3: {  	[sflag:s21] =	ssyncset.done $0x0  }
0xc4: {  	[sflag:s21] =	ssyncadd.s32 $0xFFFFC000  }
0xc5: {  	[hbm4b:s16+s4] =	stream.linear.scatter [tilespmem:s20], [sflag:$0x5], $0x4000, $0x38;
	[tilespmem:$0x1E800] =	vst v63  }
0xc6: {  	_ =	swait.ge [sflag:s21], $0x4000  }
0xc7: {  	[sflag:s21] =	ssyncset.done $0x0  }
0xc8: {  	[sflag:s21] =	ssyncadd.s32 $0xFFFFC000  }
0xc9: {  	[tilespmem:s20], [sflag:$0x5] =	stream.linear.gather [spmem:s8], $0x4000, $0x38;
	[tilespmem:$0x1E800] =	vst v63  }
0xca: {  	_ =	swait.ge [sflag:s21], $0x4000  }
0xcb: {  	[sflag:s21] =	ssyncset.done $0x0  }
0xcc: {  	[sflag:s21] =	ssyncadd.s32 $0xFFFFC000  }
0xcd: {  	[hbm4b:s17+s4] =	stream.linear.scatter [tilespmem:s20], [sflag:$0x5], $0x4000, $0x38;
	[tilespmem:$0x1E800] =	vst v63  }
0xce: {  	_ =	swait.ge [sflag:s21], $0x4000  }
0xcf: {  	[sflag:s21] =	ssyncset.done $0x0  }
0xd0: {  	[sflag:s21] =	ssyncadd.s32 $0xFFFFC000  }
0xd1: {  	[tilespmem:s20], [sflag:$0x5] =	stream.linear.gather [spmem:s9], $0x4000, $0x38;
	[tilespmem:$0x1E800] =	vst v63  }
0xd2: {  	s2 =	sadd.s32 $0x1, s2;
	_ =	swait.ge [sflag:s21], $0x4000  }
0xd3: {  	p0 =	sne.s32 s2, s19;
	[sflag:s21] =	ssyncset.done $0x0  }
.Ltmp3:
0xd4: {  	[sflag:s21] =	ssyncadd.s32 $0xFFFFC000;
	(pc) =	sbr.rel @p0 .LBB2_1-.Ltmp3, $4  }
0xd5: {  	[hbm4b:s18+s4] =	stream.linear.scatter [tilespmem:s20], [sflag:$0x5], $0x4000, $0x38;
	[tilespmem:$0x1E800] =	vst v63  }
0xd6: {  	_ =	swait.ge [sflag:s21], $0x4000  }
0xd7: {  	[sflag:s21] =	ssyncset.done $0x0  }
0xd8: {  	[sflag:s21] =	ssyncadd.s32 $0xFFFFC000  }
0xd9: {  	_ =	sfence.sel $0x180000  }
0xda: {  	[bflag:$0x0] =	sbarrier.arrive $0xFFFF  }
0xdb: {  	_ =	strace $0x9000004A  }
0xdc: {  	s0 =	stileid.u32;
	[bflag:$0x2] =	sbarrier.arrive $0xFFFF  }
0xdd: {  	p0 =	sne.s32 s0, $0x0;
	s0 =	rddreg [dreg:$0x3]  }
0xde: {  	s0 =	sadd.s32 @!p0 $0x100000, s0  }
0xdf: {  	[sflag:s0] =	ssyncadd.tile.s32 @!p0 $0x1;
	_ =	shalt  }
.Lfunc_end2:
_tile_overlayer_lowered:
.L_overlay_start_2:
0xe0: {  	(tag) =	ssettag $0x2  }
0xe1: {  	s0 =	rddreg [dreg:$0x0];
	s2 =	stileid.u32  }
0xe2: {  	s1 =	rddreg [dreg:$0x1];
	p0 =	sne.s32 s2, $0x0  }
0xe3: {  	s3 =	rddreg [dreg:$0x2];
	[bflag:$0x3] =	sbarrier.arrive $0xFFFF;
	s2 =	simm.s32 @!p0 $0x1C05  }
0xe4: {  	[timem:s3], [sflag:s2] =	dma.local @!p0 [hbm:s0], s1  }
0xe5: {  	s0 =	simm.s32 @!p0 $0x5  }
0xe6: {  	_ =	swait.ge @!p0 [sflag:s0], s1  }
0xe7: {  	s1 =	ssub.s32 @!p0 $0x0, s1;
	[sflag:s0] =	ssyncset.done @!p0 $0x0  }
0xe8: {  	[sflag:s0] =	ssyncadd.s32 @!p0 s1  }
0xe9: {  	[bflag:$0x3] =	sbarrier.arrive $0xFFFF  }
0xea: {  	_ =	shalt  }

// kernel: kernel.8.cloned.1.call-start
scs
__scs_entry_jumppad:
0x0: {  	(pc) =	sbr.rel $0x88, $3  }
0x1: {  	(tag) =	ssettag $0x0;
	lr =	simm.s32 $0x1  }
0x2: {  	[smem:$0x3F9B] =	sst lr;
	_ =	strace $0xD0000000  }
0x3: {  	_ = 	snop  }
0x4: {  	_ = 	snop  }
0x5: {  	_ = 	snop  }
0x6: {  	_ = 	snop  }
0x7: {  	_ = 	snop  }
__scs_overlays_trampoline_lowered:
0x8: {  	[smem:$0x3FAA] =	sst s0  }
0x9: {  	[smem:$0x3FAB] =	sst s1  }
0xa: {  	[smem:$0x3FAC] =	sst s2  }
0xb: {  	[smem:$0x3FAD] =	sst s3  }
0xc: {  	[smem:$0x3FAE] =	sst s4  }
0xd: {  	[smem:$0x3FAF] =	sst s5  }
0xe: {  	[smem:$0x3FB0] =	sst s6  }
0xf: {  	[smem:$0x3FB1] =	sst s7  }
0x10: {  	[smem:$0x3FB2] =	sst s8  }
0x11: {  	[smem:$0x3FB3] =	sst s9;
	s0 =	simm.s32 @!p0 $0x0  }
0x12: {  	s1 =	sld [smem:$0x3F99];
	s0 =	simm.s32 @p0 $0x1  }
0x13: {  	[smem:$0x3FB4] =	sst s0;
	s0 =	simm.s32 @!p1 $0x0  }
0x14: {  	s2 =	sld [smem:$0x3F98];
	s0 =	simm.s32 @p1 $0x1  }
0x15: {  	[smem:$0x3FB5] =	sst s0;
	s0 =	simm.s32 @!p2 $0x0  }
0x16: {  	s3 =	sld [smem:$0x3FDB];
	s0 =	simm.s32 @p2 $0x1  }
0x17: {  	s4 =	simm.s32 $0x1BF5;
	[smem:$0x3FB7] =	sst s0  }
0x18: {  	s0 =	sld [smem:$0x3F9A];
	_ =	swait.ge [sflag:s4], $0x0  }
0x19: {  	s7 =	sld [smem:$0x3F9B]  }
0x1a: {  	s8 =	sadd.s32 $0xFFFFE003, lr  }
0x1b: {  	s9 =	sadd.s32 $0xFFFFFEF7, lr;
	s5 =	simm.s32 $0xFFFFFFFF;
	p2 =	slt.u32 s8, $0xFFFFF086  }
0x1c: {  	p1 =	slt.u32 s9, $0xF7A;
	s5 =	simm.s32 @!p2 $0x0  }
0x1d: {  	s5 =	simm.s32 @p1 $0x1;
	p0 =	seq.s32 s7, s2  }
0x1e: {  	s7 =	smul.u32 @!p0 $0xF7A, s2;
	p2 =	seq.s32 @!p0 s5, $0x0  }
0x1f: {  	s9 =	smul.u32 $0xF7A, s1;
	s8 =	simm.s32 @!p0 $0x1BF5;
	p2 =	por !p2, p0  }
0x20: {  	[sflag:s8] =	ssyncset.s32 @!p0 $0xFFFFF086;
	s6 =	sadd.s32 @!p0 s3, s7;
	s7 =	simm.s32 @!p0 $0x108  }
0x21: {  	s3 =	sadd.s32 s3, s9;
	s6 =	sadd.s32 @!p0 $0x88, s6;
	s7 =	simm.s32 @p2 $0x1082  }
0x22: {  	[simem:s7], [sflag:s8] =	dma.local @!p0 [hbm:s6], $0xF7A  }
0x23: {  	s9 =	sor.u32 $0xD0000000, s2;
	s6 =	simm.s32 $0x108;
	_ =	swait.ge @!p0 [sflag:s8], $0x0  }
0x24: {  	s3 =	sadd.s32 $0x88, s3;
	s6 =	simm.s32 @!p1 $0x1082;
	[sflag:s4] =	ssyncset.s32 $0xFFFFF086  }
0x25: {  	[simem:s6], [sflag:s4] =	dma.local [hbm:s3], $0xF7A  }
0x26: {  	[smem:$0x3F9B] =	sst s1;
	(tag) =	ssettag s2;
	_ =	strace s9  }
0x27: {  	s1 =	sld [smem:$0x3FAB]  }
0x28: {  	s2 =	sld [smem:$0x3FAC]  }
0x29: {  	s4 =	sld [smem:$0x3FAE]  }
0x2a: {  	p0 =	seq.s32 s5, $0x0;
	s5 =	sld [smem:$0x3FAF]  }
0x2b: {  	s6 =	sld [smem:$0x3FB0]  }
0x2c: {  	s7 =	sld [smem:$0x3FB1]  }
0x2d: {  	s3 =	simm.s32 $0x108;
	s8 =	sld [smem:$0x3FB2]  }
0x2e: {  	s3 =	simm.s32 @!p0 $0x1082;
	s9 =	sld [smem:$0x3FB3]  }
0x2f: {  	lr =	sadd.s32 s0, s3;
	s0 =	sld [smem:$0x3FAA]  }
0x30: {  	s3 =	sld [smem:$0x3FAD]  }
0x31: {  	[smem:$0x3FB6] =	sst s10  }
0x32: {  	s10 =	sld [smem:$0x3FB4];
	_ =	sdelay $0x3  }
0x33: {  	p0 =	seq.s32 s10, $0x1;
	s10 =	sld [smem:$0x3FB6];
	_ =	sdelay $0x3  }
0x34: {  	[smem:$0x3FB6] =	sst s10  }
0x35: {  	s10 =	sld [smem:$0x3FB5];
	_ =	sdelay $0x3  }
0x36: {  	p1 =	seq.s32 s10, $0x1;
	s10 =	sld [smem:$0x3FB6];
	_ =	sdelay $0x3  }
0x37: {  	[smem:$0x3FB6] =	sst s10  }
0x38: {  	s10 =	sld [smem:$0x3FB7]  }
0x39: {  	_ = 	snop;
	(pc) =	sbr.ind lr, $3  }
0x3a: {  	_ = 	snop  }
0x3b: {  	_ = 	snop  }
0x3c: {  	p2 =	seq.s32 s10, $0x1;
	s10 =	sld [smem:$0x3FB6]  }
0x3d: {  	_ =	shalt  }
0x3e: {  	_ =	shalt  }
0x3f: {  	_ =	shalt  }
0x40: {  	_ =	shalt  }
0x41: {  	_ =	shalt  }
0x42: {  	_ =	shalt  }
0x43: {  	_ =	shalt  }
0x44: {  	_ =	shalt  }
0x45: {  	_ =	shalt  }
0x46: {  	_ =	shalt  }
0x47: {  	_ =	shalt  }
0x48: {  	_ =	shalt  }
0x49: {  	_ =	shalt  }
0x4a: {  	_ =	shalt  }
0x4b: {  	_ =	shalt  }
0x4c: {  	_ =	shalt  }
0x4d: {  	_ =	shalt  }
0x4e: {  	_ =	shalt  }
0x4f: {  	_ =	shalt  }
0x50: {  	_ =	shalt  }
0x51: {  	_ =	shalt  }
0x52: {  	_ =	shalt  }
0x53: {  	_ =	shalt  }
0x54: {  	_ =	shalt  }
0x55: {  	_ =	shalt  }
0x56: {  	_ =	shalt  }
0x57: {  	_ =	shalt  }
0x58: {  	_ =	shalt  }
0x59: {  	_ =	shalt  }
0x5a: {  	_ =	shalt  }
0x5b: {  	_ =	shalt  }
0x5c: {  	_ =	shalt  }
0x5d: {  	_ =	shalt  }
0x5e: {  	_ =	shalt  }
0x5f: {  	_ =	shalt  }
0x60: {  	_ =	shalt  }
0x61: {  	_ =	shalt  }
0x62: {  	_ =	shalt  }
0x63: {  	_ =	shalt  }
0x64: {  	_ =	shalt  }
0x65: {  	_ =	shalt  }
0x66: {  	_ =	shalt  }
0x67: {  	_ =	shalt  }
0x68: {  	_ =	shalt  }
0x69: {  	_ =	shalt  }
0x6a: {  	_ =	shalt  }
0x6b: {  	_ =	shalt  }
0x6c: {  	_ =	shalt  }
0x6d: {  	_ =	shalt  }
0x6e: {  	_ =	shalt  }
0x6f: {  	_ =	shalt  }
0x70: {  	_ =	shalt  }
0x71: {  	_ =	shalt  }
0x72: {  	_ =	shalt  }
0x73: {  	_ =	shalt  }
0x74: {  	_ =	shalt  }
0x75: {  	_ =	shalt  }
0x76: {  	_ =	shalt  }
0x77: {  	_ =	shalt  }
0x78: {  	_ =	shalt  }
0x79: {  	_ =	shalt  }
0x7a: {  	_ =	shalt  }
0x7b: {  	_ =	shalt  }
0x7c: {  	_ =	shalt  }
0x7d: {  	_ =	shalt  }
0x7e: {  	_ =	shalt  }
0x7f: {  	_ =	shalt  }
0x80: {  	_ =	shalt  }
0x81: {  	_ =	shalt  }
0x82: {  	_ =	shalt  }
0x83: {  	_ =	shalt  }
0x84: {  	_ =	shalt  }
0x85: {  	_ =	shalt  }
0x86: {  	_ =	shalt  }
0x87: {  	_ =	shalt  }
.Lfunc_end0:
.L_simem_size_0:
called_computation_lowered:
.L_overlay_start_0:
0x88: {  	s2 =	sld [smem:$0x3FD9]  }
0x89: {  	s3 =	sld [smem:$0x3FFE];
	_ =	sdelay $0x1  }
0x8a: {  	s1 =	srdreg.scid  }
0x8b: {  	s0 =	sand.u32 $0x1, s1  }
0x8c: {  	s17 =	sshll.u32 s0, $0xA;
	s2 =	sadd.s32 s3, s2  }
0x8d: {  	s2 =	sadd.s32 s2, s17  }
0x8e: {  	[smem:$0x3FC2] =	sst s2  }
0x8f: {  	_ = 	snop  }
0x90: {  	s2 =	sld [smem:$0x3FD0];
	(tm) =	ssettm $0x1  }
0x91: {  	s18 =	sld [smem:$0x3FFB];
	_ =	sdelay $0x3  }
0x92: {  	_ =	strace s18  }
0x93: {  	s3 =	sld [smem:$0x3FFC];
	_ =	sdelay $0x3  }
0x94: {  	_ =	strace s3  }
0x95: {  	s3 =	sld [smem:$0x3FFD];
	_ =	sdelay $0x3  }
0x96: {  	_ =	strace s3  }
0x97: {  	_ =	strace $0x8FFFFFFF  }
0x98: {  	s19 =	sld [smem:$0x3FDB];
	_ =	sdelay $0x1  }
0x99: {  	s4 =	simm.s32 $_scs_section_size  }
0x9a: {  	s5 =	simm.s32 $_size__tile_overlayer_lowered;
	s6 =	simm.s32 $_tile_overlayer_lowered  }
0x9b: {  	s22 =	simm.s32 $0x1BFF;
	s21 =	sshll.u32 s6, $0x1;
	s3 =	sadd.s32 s4, s19  }
0x9c: {  	s7 =	simm.s32 $0x0;
	s20 =	sshll.u32 s5, $0x1;
	s5 =	sadd.s32 s21, s3  }
0x9d: {  	[timem:s7], [sflag:s22] =	dma.local [hbm:s5], s20  }
0x9e: {  	_ =	swait.ge [sflag:s22], s20  }
0x9f: {  	s4 =	ssub.s32 $0x0, s20;
	[sflag:s22] =	ssyncset.done $0x0  }
0xa0: {  	[sflag:s22] =	ssyncadd.s32 s4;
	_ =	sdelay $0x1  }
0xa1: {  	s23 =	simm.s32 $0x1B8B  }
0xa2: {  	_ =	swait.ge [sflag:s23], $0x1  }
0xa3: {  	[sflag:s23] =	ssyncset.done $0x0  }
0xa4: {  	s25 =	simm.s32 $0x1B8E;
	s24 =	sld [smem:$0x3FFE];
	[sflag:s23] =	ssyncadd.s32 $0xFFFFFFFF  }
0xa5: {  	s26 =	simm.s32 $execute0_lowered;
	[smem:$0x3FD2] =	sst s25  }
0xa6: {  	s5 =	sshll.u32 s26, $0x1;
	_ =	strace $0x80000046;
	[dreg:$0x1] =	wrdreg $0xFFFFFFFF  }
0xa7: {  	s28 =	simm.s32 $_size_execute0_lowered;
	s3 =	sadd.s32 s3, s5;
	[dreg:$0x0] =	wrdreg $0x0  }
0xa8: {  	s5 =	sshll.u32 s28, $0x1;
	[dreg:$0x2] =	wrdreg s3  }
0xa9: {  	[dreg:$0x3] =	wrdreg s5  }
0xaa: {  	[dreg:$0x4] =	wrdreg $0xC0  }
0xab: {  	_ =	task [dreg:s7], $0x5FFFF  }
0xac: {  	[dreg:$0x1] =	wrdreg $0xFFFFFFFF  }
0xad: {  	[dreg:$0x0] =	wrdreg $0x60  }
0xae: {  	[dreg:$0x2] =	wrdreg s24  }
0xaf: {  	[dreg:$0x3] =	wrdreg s2  }
0xb0: {  	[dreg:$0x4] =	wrdreg $0x2B000  }
0xb1: {  	[dreg:$0x5] =	wrdreg $0x9  }
0xb2: {  	_ =	task.clear_ibuf [dreg:s7], $0x6FFFF;
	_ =	strace $0x90000046  }
0xb3: {  	s29 =	simm.s32 $0x9;
	_ =	strace $0x80000048  }
0xb4: {  	_ =	swait.ge [sflag:s29], $0x1  }
0xb5: {  	[sflag:s29] =	ssyncadd.s32 $0xFFFFFFFF  }
0xb6: {  	_ =	strace $0x90000048  }
0xb7: {  	_ =	sfence  }
0xb8: {  	s30 =	sld [smem:$0x0];
	_ =	sdelay $0x2  }
0xb9: {  	s31 =	sshll.u32 s1, $0xD;
	s1 =	sshrl.u32 s1, $0x2  }
0xba: {  	s3 =	sand.u32 $0x4000, s31;
	s1 =	sadd.s32 s1, s30  }
0xbb: {  	s0 =	sor.u32 s3, s0;
	s1 =	sshll.u32 s1, $0x11  }
0xbc: {  	s0 =	sor.u32 s1, s0  }
0xbd: {  	s0 =	sadd.s32 $0x8F2B, s0  }
0xbe: {  	[sflag:s0] =	ssyncadd.remote.s32 $0x1  }
0xbf: {  	_ =	sfence.sel $0xFFFF  }
0xc0: {  	[dreg:$0x0] =	wrdreg $0xFFFFFFFF;
	(pc) =	sbr.abs _section_cstart, $3  }
0xc1: {  	[dreg:$0x1] =	wrdreg $0xFFFFFFFF  }
0xc2: {  	_ =	task.clear_ibuf [dreg:s7], $0x2FFFF;
	_ =	strace $0x9FFFFFFF  }
0xc3: {  	(tm) =	ssettm $0x7FFFFFFF  }
tec
execute0_lowered:
.L_overlay_start_1:
0x0: {  	(tag) =	ssettag $0x1  }
0x1: {  	s1 =	srdreg.scid;
	s4 =	rddreg [dreg:$0x0]  }
0x2: {  	s0 =	stileid.u32;
	s6 =	rddreg [dreg:$0x1]  }
0x3: {  	s2 =	rddreg [dreg:$0x2];
	s3 =	simm.s32 $0x0;
	s11 =	simm.s32 $0x2800  }
0x4: {  	s12 =	simm.s32 $0x1;
	s13 =	simm.s32 $0x0;
	s5 =	sand.u32 $0x1, s1  }
0x5: {  	s29 =	sshll.u32 s0, $0x1;
	s8 =	smul.u32 $0x280, s0;
	[smem:$0x7FF] =	sst s3  }
0x6: {  	s1 =	sor.u32 s5, s29;
	s9 =	smul.u32 $0x2800, s5;
	s5 =	ssub.s32 $0x2, s5  }
0x7: {  	s7 =	smul.u32 $0x500, s1;
	s1 =	rddreg [dreg:$0x3];
	s30 =	sshrl.u32 s5, $0x1  }
0x8: {  	_ =	strace $0x80000047;
	s9 =	sadd.s32 s8, s9;
	s10 =	ssub.s32 s5, s30  }
0x9: {  	s7 =	sadd.s32 s7, s4;
	s4 =	sadd.s32 s8, s2;
	s31 =	sshrl.u32 s9, $0x3  }
0xa: {  	s8 =	simm.s32 $0x2880;
	s9 =	simm.s32 $0x2;
	s5 =	sadd.s32 $0x2200, s7  }
0xb: {  	v0 =	vimm.f32 $1.000000000e+00;
	v1 =	vimm.f32 $0.0e+00;
	s6 =	sadd.s32 s6, s31;
	s7 =	smax.u32 s10, $0x1;
	s10 =	simm.s32 $0x80  }
.LBB2_1:
0xc: {  	[tilespmem:$0x2800] =	vst v0  }
0xd: {  	[tilespmem:$0x2810] =	vst v0  }
0xe: {  	[tilespmem:$0x2820] =	vst v0  }
0xf: {  	[tilespmem:$0x2830] =	vst v0  }
0x10: {  	[tilespmem:$0x2840] =	vst v0  }
0x11: {  	[tilespmem:$0x2850] =	vst v0  }
0x12: {  	[tilespmem:$0x2860] =	vst v0  }
0x13: {  	[tilespmem:$0x2870] =	vst v0  }
0x14: {  	[tilespmem:$0x2880] =	vst v1  }
0x15: {  	[tilespmem:$0x2890] =	vst v1  }
0x16: {  	[tilespmem:$0x28A0] =	vst v1  }
0x17: {  	[tilespmem:$0x28B0] =	vst v1  }
0x18: {  	[tilespmem:$0x28C0] =	vst v1  }
0x19: {  	[tilespmem:$0x28D0] =	vst v1  }
0x1a: {  	[tilespmem:$0x28E0] =	vst v1  }
0x1b: {  	[tilespmem:$0x28F0] =	vst v1  }
0x1c: {  	[tilespmem:$0x2900] =	vst v1  }
0x1d: {  	[tilespmem:$0x2910] =	vst v1  }
0x1e: {  	[tilespmem:$0x2920] =	vst v1  }
0x1f: {  	[tilespmem:$0x2930] =	vst v1  }
0x20: {  	[tilespmem:$0x2940] =	vst v1  }
0x21: {  	[tilespmem:$0x2950] =	vst v1  }
0x22: {  	[tilespmem:$0x2960] =	vst v1  }
0x23: {  	[tilespmem:$0x2970] =	vst v1  }
0x24: {  	[tilespmem:$0x2980] =	vst v1  }
0x25: {  	[tilespmem:$0x2990] =	vst v1  }
0x26: {  	[tilespmem:$0x29A0] =	vst v1  }
0x27: {  	[tilespmem:$0x29B0] =	vst v1  }
0x28: {  	[tilespmem:$0x29C0] =	vst v1  }
0x29: {  	[tilespmem:$0x29D0] =	vst v1  }
0x2a: {  	[tilespmem:$0x29E0] =	vst v1  }
0x2b: {  	[tilespmem:$0x29F0] =	vst v1  }
0x2c: {  	[tilespmem:$0x2A00] =	vst v1  }
0x2d: {  	[tilespmem:$0x2A10] =	vst v1  }
0x2e: {  	[tilespmem:$0x2A20] =	vst v1  }
0x2f: {  	[tilespmem:$0x2A30] =	vst v1  }
0x30: {  	[tilespmem:$0x2A40] =	vst v1  }
0x31: {  	[tilespmem:$0x2A50] =	vst v1  }
0x32: {  	[tilespmem:$0x2A60] =	vst v1  }
0x33: {  	[tilespmem:$0x2A70] =	vst v1  }
0x34: {  	[tilespmem:$0x2A80] =	vst v1  }
0x35: {  	[tilespmem:$0x2A90] =	vst v1  }
0x36: {  	[tilespmem:$0x2AA0] =	vst v1  }
0x37: {  	[tilespmem:$0x2AB0] =	vst v1  }
0x38: {  	[tilespmem:$0x2AC0] =	vst v1  }
0x39: {  	[tilespmem:$0x2AD0] =	vst v1  }
0x3a: {  	[tilespmem:$0x2AE0] =	vst v1  }
0x3b: {  	[tilespmem:$0x2AF0] =	vst v1  }
0x3c: {  	[spmem:s4] =	stream.linear.scatter [tilespmem:s8], [sflag:$0x2], $0x280, $0x38;
	[tilespmem:$0x2D80] =	vst v63  }
0x3d: {  	_ =	swait.ge [sflag:s9], $0x280  }
0x3e: {  	[sflag:s9] =	ssyncset.done $0x0  }
0x3f: {  	[sflag:s9] =	ssyncadd.s32 $0xFFFFFD80  }
0x40: {  	[tilespmem:s3], [sflag:$0x2] =	stream.linear.gather [hbm4b:s5+s3], $0x2800, $0x38;
	[tilespmem:$0x2D80] =	vst v63  }
0x41: {  	_ =	swait.ge [sflag:s9], $0x2800  }
0x42: {  	[sflag:s9] =	ssyncset.done $0x0  }
0x43: {  	[sflag:s9] =	ssyncadd.s32 $0xFFFFD800  }
0x44: {  	s14 =	simm.s32 $0x0;
	[bflag:$0x0] =	sbarrier.arrive $0xFFFF  }
.LBB2_2:
0x45: {  	p0 =	sne.s32 s14, $0x9E00  }
.Ltmp0:
0x46: {  	_ = 	snop;
	(pc) =	sbr.rel @p0 .LBB2_2-.Ltmp0, $3  }
0x47: {  	_ =	sdelay $0x1  }
0x48: {  	s15 =	sshra.s32 s14, $0x2;
	s14 =	sadd.s32 $0x200, s14  }
0x49: {  	[spmem:s2] =	stream.indirect.scatter.add.f32 [tilespmem:s11], [sflag:$0x1], $0x1, s15, s10, $0xb8;
	[tilespmem:$0x2D80] =	vst v63  }
0x4a: {  	_ =	swait.ge [sflag:s12], $0x80  }
0x4b: {  	s14 =	simm.s32 $0x4F;
	[sflag:s12] =	ssyncset.done $0x0  }
.LBB2_4:
0x4c: {  	p0 =	sne.s32 s14, $0x1;
	s14 =	sadd.s32 $0xFFFFFFFF, s14;
	[sflag:s12] =	ssyncadd.s32 $0xFFFFFF80  }
.Ltmp1:
0x4d: {  	(pc) =	sbr.rel @p0 .LBB2_4-.Ltmp1, $3  }
0x4e: {  	_ =	sdelay $0x1  }
0x4f: {  	_ =	swait.ge [sflag:s12], $0x80  }
0x50: {  	[sflag:s12] =	ssyncset.done $0x0  }
0x51: {  	[sflag:s12] =	ssyncadd.s32 $0xFFFFFF80  }
0x52: {  	[bflag:$0x0] =	sbarrier.arrive $0xFFFF  }
0x53: {  	[tilespmem:s8], [sflag:$0x2] =	stream.linear.gather [spmem:s4], $0x280, $0x38;
	[tilespmem:$0x2D80] =	vst v63  }
0x54: {  	s13 =	sadd.s32 $0x1, s13;
	_ =	swait.ge [sflag:s9], $0x280  }
0x55: {  	p0 =	sne.s32 s13, s7;
	[sflag:s9] =	ssyncset.done $0x0  }
.Ltmp2:
0x56: {  	[sflag:s9] =	ssyncadd.s32 $0xFFFFFD80;
	(pc) =	sbr.rel @p0 .LBB2_1-.Ltmp2, $4  }
0x57: {  	[hbm4b:s6+s3] =	stream.linear.scatter [tilespmem:s8], [sflag:$0x2], $0x280, $0x38;
	[tilespmem:$0x2D80] =	vst v63  }
0x58: {  	_ =	swait.ge [sflag:s9], $0x280  }
0x59: {  	[sflag:s9] =	ssyncset.done $0x0  }
0x5a: {  	[sflag:s9] =	ssyncadd.s32 $0xFFFFFD80  }
0x5b: {  	_ =	sfence.sel $0x180000  }
0x5c: {  	[bflag:$0x0] =	sbarrier.arrive $0xFFFF  }
0x5d: {  	p0 =	sne.s32 s0, $0x0;
	_ =	strace $0x90000047  }
0x5e: {  	s0 =	sadd.s32 @!p0 $0x100000, s1;
	[bflag:$0x2] =	sbarrier.arrive $0xFFFF  }
0x5f: {  	[sflag:s0] =	ssyncadd.tile.s32 @!p0 $0x1;
	_ =	shalt  }
.Lfunc_end2:
_tile_overlayer_lowered:
.L_overlay_start_2:
0x60: {  	(tag) =	ssettag $0x2  }
0x61: {  	s0 =	rddreg [dreg:$0x0];
	s2 =	stileid.u32  }
0x62: {  	s1 =	rddreg [dreg:$0x1];
	p0 =	sne.s32 s2, $0x0  }
0x63: {  	s3 =	rddreg [dreg:$0x2];
	[bflag:$0x3] =	sbarrier.arrive $0xFFFF;
	s2 =	simm.s32 @!p0 $0x1C02  }
0x64: {  	[timem:s3], [sflag:s2] =	dma.local @!p0 [hbm:s0], s1  }
0x65: {  	s0 =	simm.s32 @!p0 $0x2  }
0x66: {  	_ =	swait.ge @!p0 [sflag:s0], s1  }
0x67: {  	s1 =	ssub.s32 @!p0 $0x0, s1;
	[sflag:s0] =	ssyncset.done @!p0 $0x0  }
0x68: {  	[sflag:s0] =	ssyncadd.s32 @!p0 s1  }
0x69: {  	[bflag:$0x3] =	sbarrier.arrive $0xFFFF  }
0x6a: {  	_ =	shalt  }

</sc_bundles>
